<compile_context>
chip_gen: v7x
topology: tpu7x:2x2x1
jax: 0.10.2.dev20260603
libtpu: 0.0.44.dev20260713+nightly
codegen_flags: <defaults>
</compile_context>

<pallas_src>
import functools

import numpy as np
import jax
import jax.numpy as jnp
from jax import lax
from jax.experimental import pallas as pl
from jax.experimental.pallas import tpu as pltpu
from jax.experimental.pallas import tpu_sc as plsc

N = 10000
E = 160000
IN = 8
SH = 4
OUT = 16
F = 64
H = 64
K = IN * SH
WID = 2 * OUT
SCALE = 1.0 / float(np.sqrt(IN * SH))

NC, NS = 2, 16
NW = NC * NS
SEG = 2
ES = E // SEG
EPW = ES // NW
NPT = N // NS
CH = 500
NCH = EPW // CH
NCR = E // CH

BE = 3200

_c = np.arange(K * OUT)
_RS2 = ((_c // 128)[None, :] == np.arange(SH)[:, None]).astype(np.float32)


def _sc_tp_scatter(g, dst2, src2, table, zeros, seg):
    mesh = plsc.VectorSubcoreMesh(core_axis_name="c", subcore_axis_name="s")

    @functools.partial(
        pl.kernel, mesh=mesh,
        out_type=jax.ShapeDtypeStruct((NC, N, WID), jnp.float32),
        compiler_params=pltpu.CompilerParams(use_tc_tiling_on_sc=False,
                                             needs_layout_passes=False),
        scratch_types=[
            pltpu.VMEM((NCH, CH), jnp.int32),
            pltpu.VMEM((NCH, CH), jnp.int32),
            pltpu.VMEM((CH, 2 * IN), jnp.float32),
            pltpu.VMEM((CH, 128), jnp.float32),
            pltpu.VMEM((CH, WID), jnp.float32),
            pltpu.VMEM_SHARED((N, WID), jnp.float32),
            pltpu.SemaphoreType.DMA,
        ],
    )
    def sk(g_hbm, dst2_hbm, src2_hbm, table_hbm, zeros_hbm, out_hbm,
           didx2_v, sidx2_v, xrows_v, g_v, st_v, acc_sh, sem):
        c = lax.axis_index("c")
        s = lax.axis_index("s")
        w = s * NC + c
        iota = lax.iota(jnp.int32, 16)
        ones = jnp.ones((16,), jnp.float32)

        row0 = seg * (ES // CH) + w * NCH
        pltpu.sync_copy(dst2_hbm.at[pl.ds(row0, NCH)], didx2_v)
        pltpu.sync_copy(src2_hbm.at[pl.ds(row0, NCH)], sidx2_v)
        pltpu.sync_copy(zeros_hbm.at[pl.ds(s * NPT, NPT)],
                        acc_sh.at[pl.ds(s * NPT, NPT)])

        def pre(r, carry):
            st_v[r, pl.ds(OUT, OUT)] = ones
            return carry

        lax.fori_loop(0, CH, pre, 0)
        plsc.subcore_barrier()

        UNROLL = 4

        def chunk(ci, carry):
            base = w * EPW + ci * CH
            pltpu.async_copy(table_hbm.at[didx2_v.at[ci]],
                             xrows_v, sem).wait()
            pltpu.sync_copy(g_hbm.at[pl.ds(base, CH)], g_v)

            def edge(j, ecarry):
                for u in range(UNROLL):
                    e = j * UNROLL + u
                    xv = xrows_v[e, pl.ds(0, 2 * IN)]
                    a = xv[0] * g_v[e, pl.ds(0, OUT)]
                    for i in range(1, IN):
                        a = a + xv[i] * g_v[e, pl.ds(i * OUT, OUT)]
                    st_v[e, pl.ds(0, OUT)] = a
                return ecarry

            lax.fori_loop(0, CH // UNROLL, edge, 0)
            pltpu.sync_copy(st_v, acc_sh.at[sidx2_v.at[ci]], add=True)
            return carry

        lax.fori_loop(0, NCH, chunk, 0)
        plsc.subcore_barrier()
        pltpu.sync_copy(acc_sh.at[pl.ds(s * NPT, NPT)],
                        out_hbm.at[c, pl.ds(s * NPT, NPT)])

    return sk(g, dst2, src2, table, zeros)


def _dott(at, b):
    return lax.dot_general(at, b, dimension_numbers=(((0,), (0,)), ((), ())),
                           preferred_element_type=jnp.float32)


def _tc_main_body(sht_ref, eat_ref, w1_ref, b1_ref, w2_ref, b2_ref,
                  rs_ref, out_ref):
    ea = eat_ref[...].astype(jnp.bfloat16)
    h = jnp.maximum(_dott(ea, w1_ref[...]) + b1_ref[...], 0.0)
    w = jnp.dot(h.astype(jnp.bfloat16), w2_ref[...],
                preferred_element_type=jnp.float32) + b2_ref[...]
    p = _dott(sht_ref[...], rs_ref[...]) * w
    t = p[:, :256] + p[:, 256:]
    out_ref[...] = (t[:, :128] + t[:, 128:]) * SCALE


def _tc_main(sht, eat, w1, b1, w2p, b2p, seg):
    nb = ES // BE
    off = seg * nb
    fixed = lambda i: (0, 0)
    return pl.pallas_call(
        _tc_main_body,
        grid=(nb,),
        in_specs=[
            pl.BlockSpec((SH, BE), lambda i: (0, i + off)),
            pl.BlockSpec((F, BE), lambda i: (0, i + off)),
            pl.BlockSpec((F, H), fixed),
            pl.BlockSpec((1, H), fixed),
            pl.BlockSpec((H, K * OUT), fixed),
            pl.BlockSpec((1, K * OUT), fixed),
            pl.BlockSpec((SH, K * OUT), fixed),
        ],
        out_specs=pl.BlockSpec((BE, 128), lambda i: (i, 0)),
        out_shape=jax.ShapeDtypeStruct((ES, 128), jnp.float32),
    )(sht, eat, w1.astype(jnp.bfloat16), b1, w2p.astype(jnp.bfloat16), b2p,
      jnp.asarray(_RS2))


def _tc_norm_body(a0_ref, a1_ref, na_ref, g_ref, b_ref, out_ref):
    a = (a0_ref[0] + a0_ref[1]) + (a1_ref[0] + a1_ref[1])
    sums = a[:, :OUT]
    cnt = a[:, OUT:OUT + 1]
    o = sums / jnp.maximum(cnt, 1.0) + na_ref[...]
    mean = jnp.mean(o, axis=0, keepdims=True)
    var = jnp.mean((o - mean) ** 2, axis=0, keepdims=True)
    out_ref[...] = (o - mean) * lax.rsqrt(var + 1e-5) * g_ref[...] + b_ref[...]


def _tc_norm(a0, a1, na16, gamma, beta):
    return pl.pallas_call(
        _tc_norm_body,
        out_shape=jax.ShapeDtypeStruct((N, OUT), jnp.float32),
    )(a0, a1, na16, gamma, beta)


def kernel(node_attr, edge_index, edge_attr, edge_sh, W1, b1, W2, b2, gamma, beta):
    na16 = jnp.pad(node_attr, ((0, 0), (0, 2 * IN - IN)))
    src2 = edge_index[0].reshape(E // CH, CH)
    dst2 = edge_index[1].reshape(E // CH, CH)
    W2p = W2.reshape(H, IN, SH, OUT).transpose(0, 2, 1, 3).reshape(H, K * OUT)
    b2p = b2.reshape(IN, SH, OUT).transpose(1, 0, 2).reshape(1, K * OUT)
    zeros = jnp.zeros((N, WID), jnp.float32)
    accs = []
    for seg in range(SEG):
        g = _tc_main(edge_sh.T, edge_attr.T, W1, b1.reshape(1, H), W2p, b2p,
                     seg)
        accs.append(_sc_tp_scatter(g, dst2, src2, na16, zeros, seg))
    return _tc_norm(accs[0], accs[1], na16, gamma.reshape(1, OUT),
                    beta.reshape(1, OUT))

# --- scband reference (transcript-rebuilt; emitter-appended) ---
"""Pipeline reference for scband-tensor-product-conv-layer-38087769981432 (READ-ONLY COPY).

The authoritative reference and input builder live on the scoring server;
editing this copy changes nothing except your own understanding.
"""

import jax, jax.numpy as jnp
import numpy as np

N = 10000
E = 160000
IN = 8
SH = 4
OUT = 16
F = 64
H = 64


def setup_inputs(seed: int = 0) -> dict:
    key = jax.random.key(seed)
    ks = jax.random.split(key, 8)
    node_attr = jax.random.normal(ks[0], (N, IN), dtype=jnp.float32)
    edge_index = jax.random.randint(ks[1], (2, E), 0, N, dtype=jnp.int32)
    edge_attr = jax.random.normal(ks[2], (E, F), dtype=jnp.float32)
    edge_sh = jax.random.normal(ks[3], (E, SH), dtype=jnp.float32)
    W1 = jax.random.normal(ks[4], (F, H), dtype=jnp.float32) / np.sqrt(F)
    b1 = jnp.zeros((H,), jnp.float32)
    W2 = jax.random.normal(ks[5], (H, IN * SH * OUT), dtype=jnp.float32) / np.sqrt(H)
    b2 = jnp.zeros((IN * SH * OUT,), jnp.float32)
    gamma = jnp.ones((OUT,), jnp.float32)
    beta = jnp.zeros((OUT,), jnp.float32)
    return {"node_attr": node_attr, "edge_index": edge_index, "edge_attr": edge_attr,
            "edge_sh": edge_sh, "W1": W1, "b1": b1, "W2": W2, "b2": b2,
            "gamma": gamma, "beta": beta}


def reference(node_attr, edge_index, edge_attr, edge_sh, W1, b1, W2, b2, gamma, beta):
    edge_src = edge_index[0]
    edge_dst = edge_index[1]
    # MLP generating per-edge tensor-product weights
    h = jax.nn.relu(edge_attr @ W1 + b1)
    w = (h @ W2 + b2).reshape(-1, IN, SH, OUT)
    # fully-connected tensor product (scalar irreps -> bilinear), e3nn-style path normalization
    x = node_attr[edge_dst]
    tp = jnp.einsum('ei,es,eiso->eo', x, edge_sh, w) / np.sqrt(IN * SH)
    # scatter mean to src nodes
    sums = jax.ops.segment_sum(tp, edge_src, num_segments=N)
    cnt = jax.ops.segment_sum(jnp.ones((tp.shape[0],), jnp.float32), edge_src, num_segments=N)
    out = sums / jnp.clip(cnt, 1.0)[:, None]
    # residual with zero-padding of input features
    padded = jnp.pad(node_attr, ((0, 0), (0, OUT - IN)), mode='constant')
    out = out + padded
    # batch norm over nodes (per output channel)
    mean = out.mean(axis=0, keepdims=True)
    var = out.var(axis=0, keepdims=True)
    out = (out - mean) / jnp.sqrt(var + 1e-5) * gamma + beta
    return out

if __name__ == "__main__":
    import jax
    _d = setup_inputs()
    print(jax.jit(kernel)(*tuple(_d.values())))

</pallas_src>

<mosaic_0001>
#map = affine_map<(d0, d1) -> (0, 0)>
#map1 = affine_map<(d0, d1) -> (0, 0, 0)>
module attributes {stable_mosaic.version = 14 : i64} {
  func.func @sk(%arg0: i32, %arg1: i32, %arg2: memref<80000x128xf32, #tpu.memory_space<hbm>>, %arg3: memref<320x500xi32, #tpu.memory_space<hbm>>, %arg4: memref<320x500xi32, #tpu.memory_space<hbm>>, %arg5: memref<10000x16xf32, #tpu.memory_space<hbm>>, %arg6: memref<10000x32xf32, #tpu.memory_space<hbm>>, %arg7: memref<2x10000x32xf32, #tpu.memory_space<hbm>>, %arg8: memref<5x500xi32, #tpu.memory_space<vmem>>, %arg9: memref<5x500xi32, #tpu.memory_space<vmem>>, %arg10: memref<500x16xf32, #tpu.memory_space<vmem>>, %arg11: memref<500x128xf32, #tpu.memory_space<vmem>>, %arg12: memref<500x32xf32, #tpu.memory_space<vmem>>, %arg13: memref<10000x32xf32, #tpu.memory_space<vmem_shared>>, %arg14: memref<!tpu.dma_semaphore, #tpu.memory_space<semaphore_mem>>) attributes {dimension_semantics = [#tpu.dimension_semantics<core_parallel>, #tpu.dimension_semantics<subcore_parallel>], iteration_bounds = array<i64: 2, 16>, scalar_prefetch = 0 : i64, scratch_operands = 7 : i64, tpu.core_type = #tpu.core_type<sc_vector_subcore>, window_params = [{transform_indices = #map}, {transform_indices = #map}, {transform_indices = #map}, {transform_indices = #map}, {transform_indices = #map}, {transform_indices = #map1}]} {
    %mul3A = arith.constant 2 : i32
    %mul3A_0 = arith.muli %arg1, %mul3A : i32
    %add3A = arith.addi %mul3A_0, %arg0 : i32
    %iota3A = tpu.iota {dimensions = array<i32: 0>} : vector<16xi32>
    %broadcast_in_dim3A = arith.constant 1.000000e+00 : f32
    %broadcast_in_dim3A_1 = vector.broadcast %broadcast_in_dim3A : f32 to vector<16xf32>
    %mul3A_2 = arith.constant 5 : i32
    %mul3A_3 = arith.muli %add3A, %mul3A_2 : i32
    %add3A_4 = arith.constant 160 : i32
    %add3A_5 = arith.addi %add3A_4, %mul3A_3 : i32
    "tpu.region"() ({
      %run_scoped3A = tpu.sem_alloc : memref<!tpu.dma_semaphore, #tpu.memory_space<semaphore_mem>>
      %dma_start3A = arith.constant 0 : i32
      %dma_start3A_26 = tpu.memref_slice %arg3[%add3A_5, %dma_start3A] : memref<320x500xi32, #tpu.memory_space<hbm>> -> memref<5x500xi32, #tpu.memory_space<hbm>>
      %dma_start3A_27 = arith.constant 0 : i32
      %dma_start3A_28 = tpu.memref_slice %arg3[%add3A_5, %dma_start3A_27] : memref<320x500xi32, #tpu.memory_space<hbm>> -> memref<5x500xi32, #tpu.memory_space<hbm>>
      tpu.enqueue_dma source(%dma_start3A_28 : memref<5x500xi32, #tpu.memory_space<hbm>>) target(%arg8 : memref<5x500xi32, #tpu.memory_space<vmem>>) target_semaphore(%run_scoped3A : memref<!tpu.dma_semaphore, #tpu.memory_space<semaphore_mem>>)
      %dma_wait3A = arith.constant 0 : i32
      %dma_wait3A_29 = tpu.memref_slice %arg3[%add3A_5, %dma_wait3A] : memref<320x500xi32, #tpu.memory_space<hbm>> -> memref<5x500xi32, #tpu.memory_space<hbm>>
      %dma_wait3A_30 = arith.constant 0 : i32
      %dma_wait3A_31 = tpu.memref_slice %arg3[%add3A_5, %dma_wait3A_30] : memref<320x500xi32, #tpu.memory_space<hbm>> -> memref<5x500xi32, #tpu.memory_space<hbm>>
      tpu.wait_dma2 semaphore(%run_scoped3A : memref<!tpu.dma_semaphore, #tpu.memory_space<semaphore_mem>>) src(%dma_wait3A_31 : memref<5x500xi32, #tpu.memory_space<hbm>>) dst(%arg8 : memref<5x500xi32, #tpu.memory_space<vmem>>)
      tpu.yield
    }) : () -> ()
    "tpu.region"() ({
      %run_scoped3A = tpu.sem_alloc : memref<!tpu.dma_semaphore, #tpu.memory_space<semaphore_mem>>
      %dma_start3A = arith.constant 0 : i32
      %dma_start3A_26 = tpu.memref_slice %arg4[%add3A_5, %dma_start3A] : memref<320x500xi32, #tpu.memory_space<hbm>> -> memref<5x500xi32, #tpu.memory_space<hbm>>
      %dma_start3A_27 = arith.constant 0 : i32
      %dma_start3A_28 = tpu.memref_slice %arg4[%add3A_5, %dma_start3A_27] : memref<320x500xi32, #tpu.memory_space<hbm>> -> memref<5x500xi32, #tpu.memory_space<hbm>>
      tpu.enqueue_dma source(%dma_start3A_28 : memref<5x500xi32, #tpu.memory_space<hbm>>) target(%arg9 : memref<5x500xi32, #tpu.memory_space<vmem>>) target_semaphore(%run_scoped3A : memref<!tpu.dma_semaphore, #tpu.memory_space<semaphore_mem>>)
      %dma_wait3A = arith.constant 0 : i32
      %dma_wait3A_29 = tpu.memref_slice %arg4[%add3A_5, %dma_wait3A] : memref<320x500xi32, #tpu.memory_space<hbm>> -> memref<5x500xi32, #tpu.memory_space<hbm>>
      %dma_wait3A_30 = arith.constant 0 : i32
      %dma_wait3A_31 = tpu.memref_slice %arg4[%add3A_5, %dma_wait3A_30] : memref<320x500xi32, #tpu.memory_space<hbm>> -> memref<5x500xi32, #tpu.memory_space<hbm>>
      tpu.wait_dma2 semaphore(%run_scoped3A : memref<!tpu.dma_semaphore, #tpu.memory_space<semaphore_mem>>) src(%dma_wait3A_31 : memref<5x500xi32, #tpu.memory_space<hbm>>) dst(%arg9 : memref<5x500xi32, #tpu.memory_space<vmem>>)
      tpu.yield
    }) : () -> ()
    %mul3A_6 = arith.constant 625 : i32
    %mul3A_7 = arith.muli %arg1, %mul3A_6 : i32
    %mul3A_8 = arith.constant 625 : i32
    %mul3A_9 = arith.muli %arg1, %mul3A_8 : i32
    "tpu.region"() ({
      %run_scoped3A = tpu.sem_alloc : memref<!tpu.dma_semaphore, #tpu.memory_space<semaphore_mem>>
      %dma_start3A = arith.constant 0 : i32
      %dma_start3A_26 = tpu.memref_slice %arg13[%mul3A_9, %dma_start3A] : memref<10000x32xf32, #tpu.memory_space<vmem_shared>> -> memref<625x32xf32, #tpu.memory_space<vmem_shared>>
      %dma_start3A_27 = arith.constant 0 : i32
      %dma_start3A_28 = tpu.memref_slice %arg6[%mul3A_7, %dma_start3A_27] : memref<10000x32xf32, #tpu.memory_space<hbm>> -> memref<625x32xf32, #tpu.memory_space<hbm>>
      tpu.enqueue_dma source(%dma_start3A_28 : memref<625x32xf32, #tpu.memory_space<hbm>>) target(%dma_start3A_26 : memref<625x32xf32, #tpu.memory_space<vmem_shared>>) target_semaphore(%run_scoped3A : memref<!tpu.dma_semaphore, #tpu.memory_space<semaphore_mem>>)
      %dma_wait3A = arith.constant 0 : i32
      %dma_wait3A_29 = tpu.memref_slice %arg13[%mul3A_9, %dma_wait3A] : memref<10000x32xf32, #tpu.memory_space<vmem_shared>> -> memref<625x32xf32, #tpu.memory_space<vmem_shared>>
      %dma_wait3A_30 = arith.constant 0 : i32
      %dma_wait3A_31 = tpu.memref_slice %arg6[%mul3A_7, %dma_wait3A_30] : memref<10000x32xf32, #tpu.memory_space<hbm>> -> memref<625x32xf32, #tpu.memory_space<hbm>>
      tpu.wait_dma2 semaphore(%run_scoped3A : memref<!tpu.dma_semaphore, #tpu.memory_space<semaphore_mem>>) src(%dma_wait3A_31 : memref<625x32xf32, #tpu.memory_space<hbm>>) dst(%dma_wait3A_29 : memref<625x32xf32, #tpu.memory_space<vmem_shared>>)
      tpu.yield
    }) : () -> ()
    %scan3A = arith.constant 0 : i32
    %scan3A_10 = arith.constant 0 : i32
    %scan3A_11 = arith.constant 500 : i32
    %scan3A_12 = arith.addi %scan3A_10, %scan3A_11 : i32
    %scan3A_13 = arith.constant 1 : i32
    scf.for %scan3A_26 = %scan3A_10 to %scan3A_12 step %scan3A_13  : i32 {
      %swap3A = arith.index_cast %scan3A_26 : i32 to index
      %swap3A_27 = arith.constant 16 : index
      %swap3A_28 = tpu.vector_load %arg12[%swap3A, %swap3A_27] {strides = array<i32>} : memref<500x32xf32, #tpu.memory_space<vmem>>, vector<16xf32>,
      tpu.vector_store %arg12[%swap3A, %swap3A_27], %broadcast_in_dim3A_1 {strides = array<i32>} : memref<500x32xf32, #tpu.memory_space<vmem>>, vector<16xf32>,
    }
    %scan3A_14 = arith.constant 500 : i32
    %barrier3A = arith.constant 0 : index
    tpu.barrier barrier_id(%barrier3A)
    %scan3A_15 = arith.constant 0 : i32
    %scan3A_16 = arith.constant 0 : i32
    %scan3A_17 = arith.constant 5 : i32
    %scan3A_18 = arith.addi %scan3A_16, %scan3A_17 : i32
    %scan3A_19 = arith.constant 1 : i32
    scf.for %scan3A_26 = %scan3A_16 to %scan3A_18 step %scan3A_19  : i32 {
      %mul3A_27 = arith.constant 2500 : i32
      %mul3A_28 = arith.muli %add3A, %mul3A_27 : i32
      %mul3A_29 = arith.constant 500 : i32
      %mul3A_30 = arith.muli %scan3A_26, %mul3A_29 : i32
      %add3A_31 = arith.addi %mul3A_28, %mul3A_30 : i32
      %dma_start3A = arith.constant 0 : i32
      %dma_start3A_32 = tpu.memref_slice %arg8[%scan3A_26, %dma_start3A] : memref<5x500xi32, #tpu.memory_space<vmem>> -> memref<1x500xi32, #tpu.memory_space<vmem>>
      %dma_start3A_33 = tpu.memref_squeeze %dma_start3A_32 : memref<1x500xi32, #tpu.memory_space<vmem>> -> memref<500xi32, #tpu.memory_space<vmem>>
      %dma_start3A_34 = arith.constant 0 : i32
      %dma_start3A_35 = arith.constant 0 : i32
      %dma_start3A_36 = tpu.memref_slice %arg5[%dma_start3A_34, %dma_start3A_35] : memref<10000x16xf32, #tpu.memory_space<hbm>> -> memref<10000x16xf32, #tpu.memory_space<hbm>>
      tpu.enqueue_indirect_dma source(%dma_start3A_36 : memref<10000x16xf32, #tpu.memory_space<hbm>>) target(%arg10 : memref<500x16xf32, #tpu.memory_space<vmem>>) offsets(%dma_start3A_33 : memref<500xi32, #tpu.memory_space<vmem>>) semaphore(%arg14 : memref<!tpu.dma_semaphore, #tpu.memory_space<semaphore_mem>>)
      %dma_wait3A = arith.constant 0 : i32
      %dma_wait3A_37 = tpu.memref_slice %arg8[%scan3A_26, %dma_wait3A] : memref<5x500xi32, #tpu.memory_space<vmem>> -> memref<1x500xi32, #tpu.memory_space<vmem>>
      %dma_wait3A_38 = tpu.memref_squeeze %dma_wait3A_37 : memref<1x500xi32, #tpu.memory_space<vmem>> -> memref<500xi32, #tpu.memory_space<vmem>>
      %dma_wait3A_39 = arith.constant 0 : i32
      %dma_wait3A_40 = arith.constant 0 : i32
      %dma_wait3A_41 = tpu.memref_slice %arg5[%dma_wait3A_39, %dma_wait3A_40] : memref<10000x16xf32, #tpu.memory_space<hbm>> -> memref<10000x16xf32, #tpu.memory_space<hbm>>
      tpu.wait_indirect_dma semaphore(%arg14 : memref<!tpu.dma_semaphore, #tpu.memory_space<semaphore_mem>>) src(%dma_wait3A_41 : memref<10000x16xf32, #tpu.memory_space<hbm>>) dst(%arg10 : memref<500x16xf32, #tpu.memory_space<vmem>>)
      "tpu.region"() ({
        %run_scoped3A = tpu.sem_alloc : memref<!tpu.dma_semaphore, #tpu.memory_space<semaphore_mem>>
        %dma_start3A_48 = arith.constant 0 : i32
        %dma_start3A_49 = tpu.memref_slice %arg2[%add3A_31, %dma_start3A_48] : memref<80000x128xf32, #tpu.memory_space<hbm>> -> memref<500x128xf32, #tpu.memory_space<hbm>>
        %dma_start3A_50 = arith.constant 0 : i32
        %dma_start3A_51 = tpu.memref_slice %arg2[%add3A_31, %dma_start3A_50] : memref<80000x128xf32, #tpu.memory_space<hbm>> -> memref<500x128xf32, #tpu.memory_space<hbm>>
        tpu.enqueue_dma source(%dma_start3A_51 : memref<500x128xf32, #tpu.memory_space<hbm>>) target(%arg11 : memref<500x128xf32, #tpu.memory_space<vmem>>) target_semaphore(%run_scoped3A : memref<!tpu.dma_semaphore, #tpu.memory_space<semaphore_mem>>)
        %dma_wait3A_52 = arith.constant 0 : i32
        %dma_wait3A_53 = tpu.memref_slice %arg2[%add3A_31, %dma_wait3A_52] : memref<80000x128xf32, #tpu.memory_space<hbm>> -> memref<500x128xf32, #tpu.memory_space<hbm>>
        %dma_wait3A_54 = arith.constant 0 : i32
        %dma_wait3A_55 = tpu.memref_slice %arg2[%add3A_31, %dma_wait3A_54] : memref<80000x128xf32, #tpu.memory_space<hbm>> -> memref<500x128xf32, #tpu.memory_space<hbm>>
        tpu.wait_dma2 semaphore(%run_scoped3A : memref<!tpu.dma_semaphore, #tpu.memory_space<semaphore_mem>>) src(%dma_wait3A_55 : memref<500x128xf32, #tpu.memory_space<hbm>>) dst(%arg11 : memref<500x128xf32, #tpu.memory_space<vmem>>)
        tpu.yield
      }) : () -> ()
      %scan3A_42 = arith.constant 0 : i32
      %scan3A_43 = arith.constant 0 : i32
      %scan3A_44 = arith.constant 125 : i32
      %scan3A_45 = arith.addi %scan3A_43, %scan3A_44 : i32
      %scan3A_46 = arith.constant 1 : i32
      scf.for %scan3A_48 = %scan3A_43 to %scan3A_45 step %scan3A_46  : i32 {
        %mul3A_49 = arith.constant 4 : i32
        %mul3A_50 = arith.muli %scan3A_48, %mul3A_49 : i32
        %add3A_51 = arith.constant 0 : i32
        %add3A_52 = arith.addi %mul3A_50, %add3A_51 : i32
        %get3A = arith.index_cast %add3A_52 : i32 to index
        %get3A_53 = arith.constant 0 : index
        %get3A_54 = tpu.vector_load %arg10[%get3A, %get3A_53] {strides = array<i32>} : memref<500x16xf32, #tpu.memory_space<vmem>>, vector<16xf32>,
        %slice3A = vector.extract_strided_slice %get3A_54 {offsets = [0], sizes = [1], strides = [1]} : vector<16xf32> to vector<1xf32>
        %squeeze3A = vector.extract %slice3A[0] : f32 from vector<1xf32>
        %get3A_55 = arith.index_cast %add3A_52 : i32 to index
        %get3A_56 = arith.constant 0 : index
        %get3A_57 = tpu.vector_load %arg11[%get3A_55, %get3A_56] {strides = array<i32>} : memref<500x128xf32, #tpu.memory_space<vmem>>, vector<16xf32>,
        %mul3A_58 = vector.broadcast %squeeze3A : f32 to vector<16xf32>
        %mul3A_59 = arith.mulf %mul3A_58, %get3A_57 : vector<16xf32>
        %slice3A_60 = vector.extract_strided_slice %get3A_54 {offsets = [1], sizes = [1], strides = [1]} : vector<16xf32> to vector<1xf32>
        %squeeze3A_61 = vector.extract %slice3A_60[0] : f32 from vector<1xf32>
        %get3A_62 = arith.index_cast %add3A_52 : i32 to index
        %get3A_63 = arith.constant 16 : index
        %get3A_64 = tpu.vector_load %arg11[%get3A_62, %get3A_63] {strides = array<i32>} : memref<500x128xf32, #tpu.memory_space<vmem>>, vector<16xf32>,
        %mul3A_65 = vector.broadcast %squeeze3A_61 : f32 to vector<16xf32>
        %mul3A_66 = arith.mulf %mul3A_65, %get3A_64 : vector<16xf32>
        %add3A_67 = arith.addf %mul3A_59, %mul3A_66 : vector<16xf32>
        %slice3A_68 = vector.extract_strided_slice %get3A_54 {offsets = [2], sizes = [1], strides = [1]} : vector<16xf32> to vector<1xf32>
        %squeeze3A_69 = vector.extract %slice3A_68[0] : f32 from vector<1xf32>
        %get3A_70 = arith.index_cast %add3A_52 : i32 to index
        %get3A_71 = arith.constant 32 : index
        %get3A_72 = tpu.vector_load %arg11[%get3A_70, %get3A_71] {strides = array<i32>} : memref<500x128xf32, #tpu.memory_space<vmem>>, vector<16xf32>,
        %mul3A_73 = vector.broadcast %squeeze3A_69 : f32 to vector<16xf32>
        %mul3A_74 = arith.mulf %mul3A_73, %get3A_72 : vector<16xf32>
        %add3A_75 = arith.addf %add3A_67, %mul3A_74 : vector<16xf32>
        %slice3A_76 = vector.extract_strided_slice %get3A_54 {offsets = [3], sizes = [1], strides = [1]} : vector<16xf32> to vector<1xf32>
        %squeeze3A_77 = vector.extract %slice3A_76[0] : f32 from vector<1xf32>
        %get3A_78 = arith.index_cast %add3A_52 : i32 to index
        %get3A_79 = arith.constant 48 : index
        %get3A_80 = tpu.vector_load %arg11[%get3A_78, %get3A_79] {strides = array<i32>} : memref<500x128xf32, #tpu.memory_space<vmem>>, vector<16xf32>,
        %mul3A_81 = vector.broadcast %squeeze3A_77 : f32 to vector<16xf32>
        %mul3A_82 = arith.mulf %mul3A_81, %get3A_80 : vector<16xf32>
        %add3A_83 = arith.addf %add3A_75, %mul3A_82 : vector<16xf32>
        %slice3A_84 = vector.extract_strided_slice %get3A_54 {offsets = [4], sizes = [1], strides = [1]} : vector<16xf32> to vector<1xf32>
        %squeeze3A_85 = vector.extract %slice3A_84[0] : f32 from vector<1xf32>
        %get3A_86 = arith.index_cast %add3A_52 : i32 to index
        %get3A_87 = arith.constant 64 : index
        %get3A_88 = tpu.vector_load %arg11[%get3A_86, %get3A_87] {strides = array<i32>} : memref<500x128xf32, #tpu.memory_space<vmem>>, vector<16xf32>,
        %mul3A_89 = vector.broadcast %squeeze3A_85 : f32 to vector<16xf32>
        %mul3A_90 = arith.mulf %mul3A_89, %get3A_88 : vector<16xf32>
        %add3A_91 = arith.addf %add3A_83, %mul3A_90 : vector<16xf32>
        %slice3A_92 = vector.extract_strided_slice %get3A_54 {offsets = [5], sizes = [1], strides = [1]} : vector<16xf32> to vector<1xf32>
        %squeeze3A_93 = vector.extract %slice3A_92[0] : f32 from vector<1xf32>
        %get3A_94 = arith.index_cast %add3A_52 : i32 to index
        %get3A_95 = arith.constant 80 : index
        %get3A_96 = tpu.vector_load %arg11[%get3A_94, %get3A_95] {strides = array<i32>} : memref<500x128xf32, #tpu.memory_space<vmem>>, vector<16xf32>,
        %mul3A_97 = vector.broadcast %squeeze3A_93 : f32 to vector<16xf32>
        %mul3A_98 = arith.mulf %mul3A_97, %get3A_96 : vector<16xf32>
        %add3A_99 = arith.addf %add3A_91, %mul3A_98 : vector<16xf32>
        %slice3A_100 = vector.extract_strided_slice %get3A_54 {offsets = [6], sizes = [1], strides = [1]} : vector<16xf32> to vector<1xf32>
        %squeeze3A_101 = vector.extract %slice3A_100[0] : f32 from vector<1xf32>
        %get3A_102 = arith.index_cast %add3A_52 : i32 to index
        %get3A_103 = arith.constant 96 : index
        %get3A_104 = tpu.vector_load %arg11[%get3A_102, %get3A_103] {strides = array<i32>} : memref<500x128xf32, #tpu.memory_space<vmem>>, vector<16xf32>,
        %mul3A_105 = vector.broadcast %squeeze3A_101 : f32 to vector<16xf32>
        %mul3A_106 = arith.mulf %mul3A_105, %get3A_104 : vector<16xf32>
        %add3A_107 = arith.addf %add3A_99, %mul3A_106 : vector<16xf32>
        %slice3A_108 = vector.extract_strided_slice %get3A_54 {offsets = [7], sizes = [1], strides = [1]} : vector<16xf32> to vector<1xf32>
        %squeeze3A_109 = vector.extract %slice3A_108[0] : f32 from vector<1xf32>
        %get3A_110 = arith.index_cast %add3A_52 : i32 to index
        %get3A_111 = arith.constant 112 : index
        %get3A_112 = tpu.vector_load %arg11[%get3A_110, %get3A_111] {strides = array<i32>} : memref<500x128xf32, #tpu.memory_space<vmem>>, vector<16xf32>,
        %mul3A_113 = vector.broadcast %squeeze3A_109 : f32 to vector<16xf32>
        %mul3A_114 = arith.mulf %mul3A_113, %get3A_112 : vector<16xf32>
        %add3A_115 = arith.addf %add3A_107, %mul3A_114 : vector<16xf32>
        %swap3A = arith.index_cast %add3A_52 : i32 to index
        %swap3A_116 = arith.constant 0 : index
        %swap3A_117 = tpu.vector_load %arg12[%swap3A, %swap3A_116] {strides = array<i32>} : memref<500x32xf32, #tpu.memory_space<vmem>>, vector<16xf32>,
        tpu.vector_store %arg12[%swap3A, %swap3A_116], %add3A_115 {strides = array<i32>} : memref<500x32xf32, #tpu.memory_space<vmem>>, vector<16xf32>,
        %mul3A_118 = arith.constant 4 : i32
        %mul3A_119 = arith.muli %scan3A_48, %mul3A_118 : i32
        %add3A_120 = arith.constant 1 : i32
        %add3A_121 = arith.addi %mul3A_119, %add3A_120 : i32
        %get3A_122 = arith.index_cast %add3A_121 : i32 to index
        %get3A_123 = arith.constant 0 : index
        %get3A_124 = tpu.vector_load %arg10[%get3A_122, %get3A_123] {strides = array<i32>} : memref<500x16xf32, #tpu.memory_space<vmem>>, vector<16xf32>,
        %slice3A_125 = vector.extract_strided_slice %get3A_124 {offsets = [0], sizes = [1], strides = [1]} : vector<16xf32> to vector<1xf32>
        %squeeze3A_126 = vector.extract %slice3A_125[0] : f32 from vector<1xf32>
        %get3A_127 = arith.index_cast %add3A_121 : i32 to index
        %get3A_128 = arith.constant 0 : index
        %get3A_129 = tpu.vector_load %arg11[%get3A_127, %get3A_128] {strides = array<i32>} : memref<500x128xf32, #tpu.memory_space<vmem>>, vector<16xf32>,
        %mul3A_130 = vector.broadcast %squeeze3A_126 : f32 to vector<16xf32>
        %mul3A_131 = arith.mulf %mul3A_130, %get3A_129 : vector<16xf32>
        %slice3A_132 = vector.extract_strided_slice %get3A_124 {offsets = [1], sizes = [1], strides = [1]} : vector<16xf32> to vector<1xf32>
        %squeeze3A_133 = vector.extract %slice3A_132[0] : f32 from vector<1xf32>
        %get3A_134 = arith.index_cast %add3A_121 : i32 to index
        %get3A_135 = arith.constant 16 : index
        %get3A_136 = tpu.vector_load %arg11[%get3A_134, %get3A_135] {strides = array<i32>} : memref<500x128xf32, #tpu.memory_space<vmem>>, vector<16xf32>,
        %mul3A_137 = vector.broadcast %squeeze3A_133 : f32 to vector<16xf32>
        %mul3A_138 = arith.mulf %mul3A_137, %get3A_136 : vector<16xf32>
        %add3A_139 = arith.addf %mul3A_131, %mul3A_138 : vector<16xf32>
        %slice3A_140 = vector.extract_strided_slice %get3A_124 {offsets = [2], sizes = [1], strides = [1]} : vector<16xf32> to vector<1xf32>
        %squeeze3A_141 = vector.extract %slice3A_140[0] : f32 from vector<1xf32>
        %get3A_142 = arith.index_cast %add3A_121 : i32 to index
        %get3A_143 = arith.constant 32 : index
        %get3A_144 = tpu.vector_load %arg11[%get3A_142, %get3A_143] {strides = array<i32>} : memref<500x128xf32, #tpu.memory_space<vmem>>, vector<16xf32>,
        %mul3A_145 = vector.broadcast %squeeze3A_141 : f32 to vector<16xf32>
        %mul3A_146 = arith.mulf %mul3A_145, %get3A_144 : vector<16xf32>
        %add3A_147 = arith.addf %add3A_139, %mul3A_146 : vector<16xf32>
        %slice3A_148 = vector.extract_strided_slice %get3A_124 {offsets = [3], sizes = [1], strides = [1]} : vector<16xf32> to vector<1xf32>
        %squeeze3A_149 = vector.extract %slice3A_148[0] : f32 from vector<1xf32>
        %get3A_150 = arith.index_cast %add3A_121 : i32 to index
        %get3A_151 = arith.constant 48 : index
        %get3A_152 = tpu.vector_load %arg11[%get3A_150, %get3A_151] {strides = array<i32>} : memref<500x128xf32, #tpu.memory_space<vmem>>, vector<16xf32>,
        %mul3A_153 = vector.broadcast %squeeze3A_149 : f32 to vector<16xf32>
        %mul3A_154 = arith.mulf %mul3A_153, %get3A_152 : vector<16xf32>
        %add3A_155 = arith.addf %add3A_147, %mul3A_154 : vector<16xf32>
        %slice3A_156 = vector.extract_strided_slice %get3A_124 {offsets = [4], sizes = [1], strides = [1]} : vector<16xf32> to vector<1xf32>
        %squeeze3A_157 = vector.extract %slice3A_156[0] : f32 from vector<1xf32>
        %get3A_158 = arith.index_cast %add3A_121 : i32 to index
        %get3A_159 = arith.constant 64 : index
        %get3A_160 = tpu.vector_load %arg11[%get3A_158, %get3A_159] {strides = array<i32>} : memref<500x128xf32, #tpu.memory_space<vmem>>, vector<16xf32>,
        %mul3A_161 = vector.broadcast %squeeze3A_157 : f32 to vector<16xf32>
        %mul3A_162 = arith.mulf %mul3A_161, %get3A_160 : vector<16xf32>
        %add3A_163 = arith.addf %add3A_155, %mul3A_162 : vector<16xf32>
        %slice3A_164 = vector.extract_strided_slice %get3A_124 {offsets = [5], sizes = [1], strides = [1]} : vector<16xf32> to vector<1xf32>
        %squeeze3A_165 = vector.extract %slice3A_164[0] : f32 from vector<1xf32>
        %get3A_166 = arith.index_cast %add3A_121 : i32 to index
        %get3A_167 = arith.constant 80 : index
        %get3A_168 = tpu.vector_load %arg11[%get3A_166, %get3A_167] {strides = array<i32>} : memref<500x128xf32, #tpu.memory_space<vmem>>, vector<16xf32>,
        %mul3A_169 = vector.broadcast %squeeze3A_165 : f32 to vector<16xf32>
        %mul3A_170 = arith.mulf %mul3A_169, %get3A_168 : vector<16xf32>
        %add3A_171 = arith.addf %add3A_163, %mul3A_170 : vector<16xf32>
        %slice3A_172 = vector.extract_strided_slice %get3A_124 {offsets = [6], sizes = [1], strides = [1]} : vector<16xf32> to vector<1xf32>
        %squeeze3A_173 = vector.extract %slice3A_172[0] : f32 from vector<1xf32>
        %get3A_174 = arith.index_cast %add3A_121 : i32 to index
        %get3A_175 = arith.constant 96 : index
        %get3A_176 = tpu.vector_load %arg11[%get3A_174, %get3A_175] {strides = array<i32>} : memref<500x128xf32, #tpu.memory_space<vmem>>, vector<16xf32>,
        %mul3A_177 = vector.broadcast %squeeze3A_173 : f32 to vector<16xf32>
        %mul3A_178 = arith.mulf %mul3A_177, %get3A_176 : vector<16xf32>
        %add3A_179 = arith.addf %add3A_171, %mul3A_178 : vector<16xf32>
        %slice3A_180 = vector.extract_strided_slice %get3A_124 {offsets = [7], sizes = [1], strides = [1]} : vector<16xf32> to vector<1xf32>
        %squeeze3A_181 = vector.extract %slice3A_180[0] : f32 from vector<1xf32>
        %get3A_182 = arith.index_cast %add3A_121 : i32 to index
        %get3A_183 = arith.constant 112 : index
        %get3A_184 = tpu.vector_load %arg11[%get3A_182, %get3A_183] {strides = array<i32>} : memref<500x128xf32, #tpu.memory_space<vmem>>, vector<16xf32>,
        %mul3A_185 = vector.broadcast %squeeze3A_181 : f32 to vector<16xf32>
        %mul3A_186 = arith.mulf %mul3A_185, %get3A_184 : vector<16xf32>
        %add3A_187 = arith.addf %add3A_179, %mul3A_186 : vector<16xf32>
        %swap3A_188 = arith.index_cast %add3A_121 : i32 to index
        %swap3A_189 = arith.constant 0 : index
        %swap3A_190 = tpu.vector_load %arg12[%swap3A_188, %swap3A_189] {strides = array<i32>} : memref<500x32xf32, #tpu.memory_space<vmem>>, vector<16xf32>,
        tpu.vector_store %arg12[%swap3A_188, %swap3A_189], %add3A_187 {strides = array<i32>} : memref<500x32xf32, #tpu.memory_space<vmem>>, vector<16xf32>,
        %mul3A_191 = arith.constant 4 : i32
        %mul3A_192 = arith.muli %scan3A_48, %mul3A_191 : i32
        %add3A_193 = arith.constant 2 : i32
        %add3A_194 = arith.addi %mul3A_192, %add3A_193 : i32
        %get3A_195 = arith.index_cast %add3A_194 : i32 to index
        %get3A_196 = arith.constant 0 : index
        %get3A_197 = tpu.vector_load %arg10[%get3A_195, %get3A_196] {strides = array<i32>} : memref<500x16xf32, #tpu.memory_space<vmem>>, vector<16xf32>,
        %slice3A_198 = vector.extract_strided_slice %get3A_197 {offsets = [0], sizes = [1], strides = [1]} : vector<16xf32> to vector<1xf32>
        %squeeze3A_199 = vector.extract %slice3A_198[0] : f32 from vector<1xf32>
        %get3A_200 = arith.index_cast %add3A_194 : i32 to index
        %get3A_201 = arith.constant 0 : index
        %get3A_202 = tpu.vector_load %arg11[%get3A_200, %get3A_201] {strides = array<i32>} : memref<500x128xf32, #tpu.memory_space<vmem>>, vector<16xf32>,
        %mul3A_203 = vector.broadcast %squeeze3A_199 : f32 to vector<16xf32>
        %mul3A_204 = arith.mulf %mul3A_203, %get3A_202 : vector<16xf32>
        %slice3A_205 = vector.extract_strided_slice %get3A_197 {offsets = [1], sizes = [1], strides = [1]} : vector<16xf32> to vector<1xf32>
        %squeeze3A_206 = vector.extract %slice3A_205[0] : f32 from vector<1xf32>
        %get3A_207 = arith.index_cast %add3A_194 : i32 to index
        %get3A_208 = arith.constant 16 : index
        %get3A_209 = tpu.vector_load %arg11[%get3A_207, %get3A_208] {strides = array<i32>} : memref<500x128xf32, #tpu.memory_space<vmem>>, vector<16xf32>,
        %mul3A_210 = vector.broadcast %squeeze3A_206 : f32 to vector<16xf32>
        %mul3A_211 = arith.mulf %mul3A_210, %get3A_209 : vector<16xf32>
        %add3A_212 = arith.addf %mul3A_204, %mul3A_211 : vector<16xf32>
        %slice3A_213 = vector.extract_strided_slice %get3A_197 {offsets = [2], sizes = [1], strides = [1]} : vector<16xf32> to vector<1xf32>
        %squeeze3A_214 = vector.extract %slice3A_213[0] : f32 from vector<1xf32>
        %get3A_215 = arith.index_cast %add3A_194 : i32 to index
        %get3A_216 = arith.constant 32 : index
        %get3A_217 = tpu.vector_load %arg11[%get3A_215, %get3A_216] {strides = array<i32>} : memref<500x128xf32, #tpu.memory_space<vmem>>, vector<16xf32>,
        %mul3A_218 = vector.broadcast %squeeze3A_214 : f32 to vector<16xf32>
        %mul3A_219 = arith.mulf %mul3A_218, %get3A_217 : vector<16xf32>
        %add3A_220 = arith.addf %add3A_212, %mul3A_219 : vector<16xf32>
        %slice3A_221 = vector.extract_strided_slice %get3A_197 {offsets = [3], sizes = [1], strides = [1]} : vector<16xf32> to vector<1xf32>
        %squeeze3A_222 = vector.extract %slice3A_221[0] : f32 from vector<1xf32>
        %get3A_223 = arith.index_cast %add3A_194 : i32 to index
        %get3A_224 = arith.constant 48 : index
        %get3A_225 = tpu.vector_load %arg11[%get3A_223, %get3A_224] {strides = array<i32>} : memref<500x128xf32, #tpu.memory_space<vmem>>, vector<16xf32>,
        %mul3A_226 = vector.broadcast %squeeze3A_222 : f32 to vector<16xf32>
        %mul3A_227 = arith.mulf %mul3A_226, %get3A_225 : vector<16xf32>
        %add3A_228 = arith.addf %add3A_220, %mul3A_227 : vector<16xf32>
        %slice3A_229 = vector.extract_strided_slice %get3A_197 {offsets = [4], sizes = [1], strides = [1]} : vector<16xf32> to vector<1xf32>
        %squeeze3A_230 = vector.extract %slice3A_229[0] : f32 from vector<1xf32>
        %get3A_231 = arith.index_cast %add3A_194 : i32 to index
        %get3A_232 = arith.constant 64 : index
        %get3A_233 = tpu.vector_load %arg11[%get3A_231, %get3A_232] {strides = array<i32>} : memref<500x128xf32, #tpu.memory_space<vmem>>, vector<16xf32>,
        %mul3A_234 = vector.broadcast %squeeze3A_230 : f32 to vector<16xf32>
        %mul3A_235 = arith.mulf %mul3A_234, %get3A_233 : vector<16xf32>
        %add3A_236 = arith.addf %add3A_228, %mul3A_235 : vector<16xf32>
        %slice3A_237 = vector.extract_strided_slice %get3A_197 {offsets = [5], sizes = [1], strides = [1]} : vector<16xf32> to vector<1xf32>
        %squeeze3A_238 = vector.extract %slice3A_237[0] : f32 from vector<1xf32>
        %get3A_239 = arith.index_cast %add3A_194 : i32 to index
        %get3A_240 = arith.constant 80 : index
        %get3A_241 = tpu.vector_load %arg11[%get3A_239, %get3A_240] {strides = array<i32>} : memref<500x128xf32, #tpu.memory_space<vmem>>, vector<16xf32>,
        %mul3A_242 = vector.broadcast %squeeze3A_238 : f32 to vector<16xf32>
        %mul3A_243 = arith.mulf %mul3A_242, %get3A_241 : vector<16xf32>
        %add3A_244 = arith.addf %add3A_236, %mul3A_243 : vector<16xf32>
        %slice3A_245 = vector.extract_strided_slice %get3A_197 {offsets = [6], sizes = [1], strides = [1]} : vector<16xf32> to vector<1xf32>
        %squeeze3A_246 = vector.extract %slice3A_245[0] : f32 from vector<1xf32>
        %get3A_247 = arith.index_cast %add3A_194 : i32 to index
        %get3A_248 = arith.constant 96 : index
        %get3A_249 = tpu.vector_load %arg11[%get3A_247, %get3A_248] {strides = array<i32>} : memref<500x128xf32, #tpu.memory_space<vmem>>, vector<16xf32>,
        %mul3A_250 = vector.broadcast %squeeze3A_246 : f32 to vector<16xf32>
        %mul3A_251 = arith.mulf %mul3A_250, %get3A_249 : vector<16xf32>
        %add3A_252 = arith.addf %add3A_244, %mul3A_251 : vector<16xf32>
        %slice3A_253 = vector.extract_strided_slice %get3A_197 {offsets = [7], sizes = [1], strides = [1]} : vector<16xf32> to vector<1xf32>
        %squeeze3A_254 = vector.extract %slice3A_253[0] : f32 from vector<1xf32>
        %get3A_255 = arith.index_cast %add3A_194 : i32 to index
        %get3A_256 = arith.constant 112 : index
        %get3A_257 = tpu.vector_load %arg11[%get3A_255, %get3A_256] {strides = array<i32>} : memref<500x128xf32, #tpu.memory_space<vmem>>, vector<16xf32>,
        %mul3A_258 = vector.broadcast %squeeze3A_254 : f32 to vector<16xf32>
        %mul3A_259 = arith.mulf %mul3A_258, %get3A_257 : vector<16xf32>
        %add3A_260 = arith.addf %add3A_252, %mul3A_259 : vector<16xf32>
        %swap3A_261 = arith.index_cast %add3A_194 : i32 to index
        %swap3A_262 = arith.constant 0 : index
        %swap3A_263 = tpu.vector_load %arg12[%swap3A_261, %swap3A_262] {strides = array<i32>} : memref<500x32xf32, #tpu.memory_space<vmem>>, vector<16xf32>,
        tpu.vector_store %arg12[%swap3A_261, %swap3A_262], %add3A_260 {strides = array<i32>} : memref<500x32xf32, #tpu.memory_space<vmem>>, vector<16xf32>,
        %mul3A_264 = arith.constant 4 : i32
        %mul3A_265 = arith.muli %scan3A_48, %mul3A_264 : i32
        %add3A_266 = arith.constant 3 : i32
        %add3A_267 = arith.addi %mul3A_265, %add3A_266 : i32
        %get3A_268 = arith.index_cast %add3A_267 : i32 to index
        %get3A_269 = arith.constant 0 : index
        %get3A_270 = tpu.vector_load %arg10[%get3A_268, %get3A_269] {strides = array<i32>} : memref<500x16xf32, #tpu.memory_space<vmem>>, vector<16xf32>,
        %slice3A_271 = vector.extract_strided_slice %get3A_270 {offsets = [0], sizes = [1], strides = [1]} : vector<16xf32> to vector<1xf32>
        %squeeze3A_272 = vector.extract %slice3A_271[0] : f32 from vector<1xf32>
        %get3A_273 = arith.index_cast %add3A_267 : i32 to index
        %get3A_274 = arith.constant 0 : index
        %get3A_275 = tpu.vector_load %arg11[%get3A_273, %get3A_274] {strides = array<i32>} : memref<500x128xf32, #tpu.memory_space<vmem>>, vector<16xf32>,
        %mul3A_276 = vector.broadcast %squeeze3A_272 : f32 to vector<16xf32>
        %mul3A_277 = arith.mulf %mul3A_276, %get3A_275 : vector<16xf32>
        %slice3A_278 = vector.extract_strided_slice %get3A_270 {offsets = [1], sizes = [1], strides = [1]} : vector<16xf32> to vector<1xf32>
        %squeeze3A_279 = vector.extract %slice3A_278[0] : f32 from vector<1xf32>
        %get3A_280 = arith.index_cast %add3A_267 : i32 to index
        %get3A_281 = arith.constant 16 : index
        %get3A_282 = tpu.vector_load %arg11[%get3A_280, %get3A_281] {strides = array<i32>} : memref<500x128xf32, #tpu.memory_space<vmem>>, vector<16xf32>,
        %mul3A_283 = vector.broadcast %squeeze3A_279 : f32 to vector<16xf32>
        %mul3A_284 = arith.mulf %mul3A_283, %get3A_282 : vector<16xf32>
        %add3A_285 = arith.addf %mul3A_277, %mul3A_284 : vector<16xf32>
        %slice3A_286 = vector.extract_strided_slice %get3A_270 {offsets = [2], sizes = [1], strides = [1]} : vector<16xf32> to vector<1xf32>
        %squeeze3A_287 = vector.extract %slice3A_286[0] : f32 from vector<1xf32>
        %get3A_288 = arith.index_cast %add3A_267 : i32 to index
        %get3A_289 = arith.constant 32 : index
        %get3A_290 = tpu.vector_load %arg11[%get3A_288, %get3A_289] {strides = array<i32>} : memref<500x128xf32, #tpu.memory_space<vmem>>, vector<16xf32>,
        %mul3A_291 = vector.broadcast %squeeze3A_287 : f32 to vector<16xf32>
        %mul3A_292 = arith.mulf %mul3A_291, %get3A_290 : vector<16xf32>
        %add3A_293 = arith.addf %add3A_285, %mul3A_292 : vector<16xf32>
        %slice3A_294 = vector.extract_strided_slice %get3A_270 {offsets = [3], sizes = [1], strides = [1]} : vector<16xf32> to vector<1xf32>
        %squeeze3A_295 = vector.extract %slice3A_294[0] : f32 from vector<1xf32>
        %get3A_296 = arith.index_cast %add3A_267 : i32 to index
        %get3A_297 = arith.constant 48 : index
        %get3A_298 = tpu.vector_load %arg11[%get3A_296, %get3A_297] {strides = array<i32>} : memref<500x128xf32, #tpu.memory_space<vmem>>, vector<16xf32>,
        %mul3A_299 = vector.broadcast %squeeze3A_295 : f32 to vector<16xf32>
        %mul3A_300 = arith.mulf %mul3A_299, %get3A_298 : vector<16xf32>
        %add3A_301 = arith.addf %add3A_293, %mul3A_300 : vector<16xf32>
        %slice3A_302 = vector.extract_strided_slice %get3A_270 {offsets = [4], sizes = [1], strides = [1]} : vector<16xf32> to vector<1xf32>
        %squeeze3A_303 = vector.extract %slice3A_302[0] : f32 from vector<1xf32>
        %get3A_304 = arith.index_cast %add3A_267 : i32 to index
        %get3A_305 = arith.constant 64 : index
        %get3A_306 = tpu.vector_load %arg11[%get3A_304, %get3A_305] {strides = array<i32>} : memref<500x128xf32, #tpu.memory_space<vmem>>, vector<16xf32>,
        %mul3A_307 = vector.broadcast %squeeze3A_303 : f32 to vector<16xf32>
        %mul3A_308 = arith.mulf %mul3A_307, %get3A_306 : vector<16xf32>
        %add3A_309 = arith.addf %add3A_301, %mul3A_308 : vector<16xf32>
        %slice3A_310 = vector.extract_strided_slice %get3A_270 {offsets = [5], sizes = [1], strides = [1]} : vector<16xf32> to vector<1xf32>
        %squeeze3A_311 = vector.extract %slice3A_310[0] : f32 from vector<1xf32>
        %get3A_312 = arith.index_cast %add3A_267 : i32 to index
        %get3A_313 = arith.constant 80 : index
        %get3A_314 = tpu.vector_load %arg11[%get3A_312, %get3A_313] {strides = array<i32>} : memref<500x128xf32, #tpu.memory_space<vmem>>, vector<16xf32>,
        %mul3A_315 = vector.broadcast %squeeze3A_311 : f32 to vector<16xf32>
        %mul3A_316 = arith.mulf %mul3A_315, %get3A_314 : vector<16xf32>
        %add3A_317 = arith.addf %add3A_309, %mul3A_316 : vector<16xf32>
        %slice3A_318 = vector.extract_strided_slice %get3A_270 {offsets = [6], sizes = [1], strides = [1]} : vector<16xf32> to vector<1xf32>
        %squeeze3A_319 = vector.extract %slice3A_318[0] : f32 from vector<1xf32>
        %get3A_320 = arith.index_cast %add3A_267 : i32 to index
        %get3A_321 = arith.constant 96 : index
        %get3A_322 = tpu.vector_load %arg11[%get3A_320, %get3A_321] {strides = array<i32>} : memref<500x128xf32, #tpu.memory_space<vmem>>, vector<16xf32>,
        %mul3A_323 = vector.broadcast %squeeze3A_319 : f32 to vector<16xf32>
        %mul3A_324 = arith.mulf %mul3A_323, %get3A_322 : vector<16xf32>
        %add3A_325 = arith.addf %add3A_317, %mul3A_324 : vector<16xf32>
        %slice3A_326 = vector.extract_strided_slice %get3A_270 {offsets = [7], sizes = [1], strides = [1]} : vector<16xf32> to vector<1xf32>
        %squeeze3A_327 = vector.extract %slice3A_326[0] : f32 from vector<1xf32>
        %get3A_328 = arith.index_cast %add3A_267 : i32 to index
        %get3A_329 = arith.constant 112 : index
        %get3A_330 = tpu.vector_load %arg11[%get3A_328, %get3A_329] {strides = array<i32>} : memref<500x128xf32, #tpu.memory_space<vmem>>, vector<16xf32>,
        %mul3A_331 = vector.broadcast %squeeze3A_327 : f32 to vector<16xf32>
        %mul3A_332 = arith.mulf %mul3A_331, %get3A_330 : vector<16xf32>
        %add3A_333 = arith.addf %add3A_325, %mul3A_332 : vector<16xf32>
        %swap3A_334 = arith.index_cast %add3A_267 : i32 to index
        %swap3A_335 = arith.constant 0 : index
        %swap3A_336 = tpu.vector_load %arg12[%swap3A_334, %swap3A_335] {strides = array<i32>} : memref<500x32xf32, #tpu.memory_space<vmem>>, vector<16xf32>,
        tpu.vector_store %arg12[%swap3A_334, %swap3A_335], %add3A_333 {strides = array<i32>} : memref<500x32xf32, #tpu.memory_space<vmem>>, vector<16xf32>,
      }
      %scan3A_47 = arith.constant 125 : i32
      "tpu.region"() ({
        %run_scoped3A = tpu.sem_alloc : memref<!tpu.dma_semaphore, #tpu.memory_space<semaphore_mem>>
        %dma_start3A_48 = arith.constant 0 : i32
        %dma_start3A_49 = tpu.memref_slice %arg9[%scan3A_26, %dma_start3A_48] : memref<5x500xi32, #tpu.memory_space<vmem>> -> memref<1x500xi32, #tpu.memory_space<vmem>>
        %dma_start3A_50 = tpu.memref_squeeze %dma_start3A_49 : memref<1x500xi32, #tpu.memory_space<vmem>> -> memref<500xi32, #tpu.memory_space<vmem>>
        %dma_start3A_51 = arith.constant 0 : i32
        %dma_start3A_52 = arith.constant 0 : i32
        %dma_start3A_53 = tpu.memref_slice %arg13[%dma_start3A_51, %dma_start3A_52] : memref<10000x32xf32, #tpu.memory_space<vmem_shared>> -> memref<10000x32xf32, #tpu.memory_space<vmem_shared>>
        tpu.enqueue_indirect_dma source(%arg12 : memref<500x32xf32, #tpu.memory_space<vmem>>) target(%dma_start3A_53 : memref<10000x32xf32, #tpu.memory_space<vmem_shared>>) offsets(%dma_start3A_50 : memref<500xi32, #tpu.memory_space<vmem>>) semaphore(%run_scoped3A : memref<!tpu.dma_semaphore, #tpu.memory_space<semaphore_mem>>) {add = true}
        %dma_wait3A_54 = arith.constant 0 : i32
        %dma_wait3A_55 = tpu.memref_slice %arg9[%scan3A_26, %dma_wait3A_54] : memref<5x500xi32, #tpu.memory_space<vmem>> -> memref<1x500xi32, #tpu.memory_space<vmem>>
        %dma_wait3A_56 = tpu.memref_squeeze %dma_wait3A_55 : memref<1x500xi32, #tpu.memory_space<vmem>> -> memref<500xi32, #tpu.memory_space<vmem>>
        %dma_wait3A_57 = arith.constant 0 : i32
        %dma_wait3A_58 = arith.constant 0 : i32
        %dma_wait3A_59 = tpu.memref_slice %arg13[%dma_wait3A_57, %dma_wait3A_58] : memref<10000x32xf32, #tpu.memory_space<vmem_shared>> -> memref<10000x32xf32, #tpu.memory_space<vmem_shared>>
        tpu.wait_indirect_dma semaphore(%run_scoped3A : memref<!tpu.dma_semaphore, #tpu.memory_space<semaphore_mem>>) src(%arg12 : memref<500x32xf32, #tpu.memory_space<vmem>>) dst(%dma_wait3A_59 : memref<10000x32xf32, #tpu.memory_space<vmem_shared>>)
        tpu.yield
      }) : () -> ()
    }
    %scan3A_20 = arith.constant 5 : i32
    %barrier3A_21 = arith.constant 0 : index
    tpu.barrier barrier_id(%barrier3A_21)
    %mul3A_22 = arith.constant 625 : i32
    %mul3A_23 = arith.muli %arg1, %mul3A_22 : i32
    %mul3A_24 = arith.constant 625 : i32
    %mul3A_25 = arith.muli %arg1, %mul3A_24 : i32
    "tpu.region"() ({
      %run_scoped3A = tpu.sem_alloc : memref<!tpu.dma_semaphore, #tpu.memory_space<semaphore_mem>>
      %dma_start3A = arith.constant 0 : i32
      %dma_start3A_26 = tpu.memref_slice %arg7[%arg0, %mul3A_25, %dma_start3A] : memref<2x10000x32xf32, #tpu.memory_space<hbm>> -> memref<1x625x32xf32, #tpu.memory_space<hbm>>
      %dma_start3A_27 = tpu.memref_squeeze %dma_start3A_26 : memref<1x625x32xf32, #tpu.memory_space<hbm>> -> memref<625x32xf32, #tpu.memory_space<hbm>>
      %dma_start3A_28 = arith.constant 0 : i32
      %dma_start3A_29 = tpu.memref_slice %arg13[%mul3A_23, %dma_start3A_28] : memref<10000x32xf32, #tpu.memory_space<vmem_shared>> -> memref<625x32xf32, #tpu.memory_space<vmem_shared>>
      tpu.enqueue_dma source(%dma_start3A_29 : memref<625x32xf32, #tpu.memory_space<vmem_shared>>) target(%dma_start3A_27 : memref<625x32xf32, #tpu.memory_space<hbm>>) target_semaphore(%run_scoped3A : memref<!tpu.dma_semaphore, #tpu.memory_space<semaphore_mem>>)
      %dma_wait3A = arith.constant 0 : i32
      %dma_wait3A_30 = tpu.memref_slice %arg7[%arg0, %mul3A_25, %dma_wait3A] : memref<2x10000x32xf32, #tpu.memory_space<hbm>> -> memref<1x625x32xf32, #tpu.memory_space<hbm>>
      %dma_wait3A_31 = tpu.memref_squeeze %dma_wait3A_30 : memref<1x625x32xf32, #tpu.memory_space<hbm>> -> memref<625x32xf32, #tpu.memory_space<hbm>>
      %dma_wait3A_32 = arith.constant 0 : i32
      %dma_wait3A_33 = tpu.memref_slice %arg13[%mul3A_23, %dma_wait3A_32] : memref<10000x32xf32, #tpu.memory_space<vmem_shared>> -> memref<625x32xf32, #tpu.memory_space<vmem_shared>>
      tpu.wait_dma2 semaphore(%run_scoped3A : memref<!tpu.dma_semaphore, #tpu.memory_space<semaphore_mem>>) src(%dma_wait3A_33 : memref<625x32xf32, #tpu.memory_space<vmem_shared>>) dst(%dma_wait3A_31 : memref<625x32xf32, #tpu.memory_space<hbm>>)
      tpu.yield
    }) : () -> ()
    return
  }
}

#map = affine_map<(d0, d1) -> (0, 0)>
#map1 = affine_map<(d0, d1) -> (0, 0, 0)>
module attributes {stable_mosaic.version = 14 : i64} {
  func.func @sk(%arg0: i32, %arg1: i32, %arg2: memref<80000x128xf32, #tpu.memory_space<hbm>>, %arg3: memref<320x500xi32, #tpu.memory_space<hbm>>, %arg4: memref<320x500xi32, #tpu.memory_space<hbm>>, %arg5: memref<10000x16xf32, #tpu.memory_space<hbm>>, %arg6: memref<10000x32xf32, #tpu.memory_space<hbm>>, %arg7: memref<2x10000x32xf32, #tpu.memory_space<hbm>>, %arg8: memref<5x500xi32, #tpu.memory_space<vmem>>, %arg9: memref<5x500xi32, #tpu.memory_space<vmem>>, %arg10: memref<500x16xf32, #tpu.memory_space<vmem>>, %arg11: memref<500x128xf32, #tpu.memory_space<vmem>>, %arg12: memref<500x32xf32, #tpu.memory_space<vmem>>, %arg13: memref<10000x32xf32, #tpu.memory_space<vmem_shared>>, %arg14: memref<!tpu.dma_semaphore, #tpu.memory_space<semaphore_mem>>) attributes {dimension_semantics = [#tpu.dimension_semantics<core_parallel>, #tpu.dimension_semantics<subcore_parallel>], iteration_bounds = array<i64: 2, 16>, scalar_prefetch = 0 : i64, scratch_operands = 7 : i64, tpu.core_type = #tpu.core_type<sc_vector_subcore>, window_params = [{transform_indices = #map}, {transform_indices = #map}, {transform_indices = #map}, {transform_indices = #map}, {transform_indices = #map}, {transform_indices = #map1}]} {
    %mul3A = arith.constant 2 : i32
    %mul3A_0 = arith.muli %arg1, %mul3A : i32
    %add3A = arith.addi %mul3A_0, %arg0 : i32
    %iota3A = tpu.iota {dimensions = array<i32: 0>} : vector<16xi32>
    %broadcast_in_dim3A = arith.constant 1.000000e+00 : f32
    %broadcast_in_dim3A_1 = vector.broadcast %broadcast_in_dim3A : f32 to vector<16xf32>
    %mul3A_2 = arith.constant 5 : i32
    %mul3A_3 = arith.muli %add3A, %mul3A_2 : i32
    %add3A_4 = arith.constant 0 : i32
    %add3A_5 = arith.addi %add3A_4, %mul3A_3 : i32
    "tpu.region"() ({
      %run_scoped3A = tpu.sem_alloc : memref<!tpu.dma_semaphore, #tpu.memory_space<semaphore_mem>>
      %dma_start3A = arith.constant 0 : i32
      %dma_start3A_26 = tpu.memref_slice %arg3[%add3A_5, %dma_start3A] : memref<320x500xi32, #tpu.memory_space<hbm>> -> memref<5x500xi32, #tpu.memory_space<hbm>>
      %dma_start3A_27 = arith.constant 0 : i32
      %dma_start3A_28 = tpu.memref_slice %arg3[%add3A_5, %dma_start3A_27] : memref<320x500xi32, #tpu.memory_space<hbm>> -> memref<5x500xi32, #tpu.memory_space<hbm>>
      tpu.enqueue_dma source(%dma_start3A_28 : memref<5x500xi32, #tpu.memory_space<hbm>>) target(%arg8 : memref<5x500xi32, #tpu.memory_space<vmem>>) target_semaphore(%run_scoped3A : memref<!tpu.dma_semaphore, #tpu.memory_space<semaphore_mem>>)
      %dma_wait3A = arith.constant 0 : i32
      %dma_wait3A_29 = tpu.memref_slice %arg3[%add3A_5, %dma_wait3A] : memref<320x500xi32, #tpu.memory_space<hbm>> -> memref<5x500xi32, #tpu.memory_space<hbm>>
      %dma_wait3A_30 = arith.constant 0 : i32
      %dma_wait3A_31 = tpu.memref_slice %arg3[%add3A_5, %dma_wait3A_30] : memref<320x500xi32, #tpu.memory_space<hbm>> -> memref<5x500xi32, #tpu.memory_space<hbm>>
      tpu.wait_dma2 semaphore(%run_scoped3A : memref<!tpu.dma_semaphore, #tpu.memory_space<semaphore_mem>>) src(%dma_wait3A_31 : memref<5x500xi32, #tpu.memory_space<hbm>>) dst(%arg8 : memref<5x500xi32, #tpu.memory_space<vmem>>)
      tpu.yield
    }) : () -> ()
    "tpu.region"() ({
      %run_scoped3A = tpu.sem_alloc : memref<!tpu.dma_semaphore, #tpu.memory_space<semaphore_mem>>
      %dma_start3A = arith.constant 0 : i32
      %dma_start3A_26 = tpu.memref_slice %arg4[%add3A_5, %dma_start3A] : memref<320x500xi32, #tpu.memory_space<hbm>> -> memref<5x500xi32, #tpu.memory_space<hbm>>
      %dma_start3A_27 = arith.constant 0 : i32
      %dma_start3A_28 = tpu.memref_slice %arg4[%add3A_5, %dma_start3A_27] : memref<320x500xi32, #tpu.memory_space<hbm>> -> memref<5x500xi32, #tpu.memory_space<hbm>>
      tpu.enqueue_dma source(%dma_start3A_28 : memref<5x500xi32, #tpu.memory_space<hbm>>) target(%arg9 : memref<5x500xi32, #tpu.memory_space<vmem>>) target_semaphore(%run_scoped3A : memref<!tpu.dma_semaphore, #tpu.memory_space<semaphore_mem>>)
      %dma_wait3A = arith.constant 0 : i32
      %dma_wait3A_29 = tpu.memref_slice %arg4[%add3A_5, %dma_wait3A] : memref<320x500xi32, #tpu.memory_space<hbm>> -> memref<5x500xi32, #tpu.memory_space<hbm>>
      %dma_wait3A_30 = arith.constant 0 : i32
      %dma_wait3A_31 = tpu.memref_slice %arg4[%add3A_5, %dma_wait3A_30] : memref<320x500xi32, #tpu.memory_space<hbm>> -> memref<5x500xi32, #tpu.memory_space<hbm>>
      tpu.wait_dma2 semaphore(%run_scoped3A : memref<!tpu.dma_semaphore, #tpu.memory_space<semaphore_mem>>) src(%dma_wait3A_31 : memref<5x500xi32, #tpu.memory_space<hbm>>) dst(%arg9 : memref<5x500xi32, #tpu.memory_space<vmem>>)
      tpu.yield
    }) : () -> ()
    %mul3A_6 = arith.constant 625 : i32
    %mul3A_7 = arith.muli %arg1, %mul3A_6 : i32
    %mul3A_8 = arith.constant 625 : i32
    %mul3A_9 = arith.muli %arg1, %mul3A_8 : i32
    "tpu.region"() ({
      %run_scoped3A = tpu.sem_alloc : memref<!tpu.dma_semaphore, #tpu.memory_space<semaphore_mem>>
      %dma_start3A = arith.constant 0 : i32
      %dma_start3A_26 = tpu.memref_slice %arg13[%mul3A_9, %dma_start3A] : memref<10000x32xf32, #tpu.memory_space<vmem_shared>> -> memref<625x32xf32, #tpu.memory_space<vmem_shared>>
      %dma_start3A_27 = arith.constant 0 : i32
      %dma_start3A_28 = tpu.memref_slice %arg6[%mul3A_7, %dma_start3A_27] : memref<10000x32xf32, #tpu.memory_space<hbm>> -> memref<625x32xf32, #tpu.memory_space<hbm>>
      tpu.enqueue_dma source(%dma_start3A_28 : memref<625x32xf32, #tpu.memory_space<hbm>>) target(%dma_start3A_26 : memref<625x32xf32, #tpu.memory_space<vmem_shared>>) target_semaphore(%run_scoped3A : memref<!tpu.dma_semaphore, #tpu.memory_space<semaphore_mem>>)
      %dma_wait3A = arith.constant 0 : i32
      %dma_wait3A_29 = tpu.memref_slice %arg13[%mul3A_9, %dma_wait3A] : memref<10000x32xf32, #tpu.memory_space<vmem_shared>> -> memref<625x32xf32, #tpu.memory_space<vmem_shared>>
      %dma_wait3A_30 = arith.constant 0 : i32
      %dma_wait3A_31 = tpu.memref_slice %arg6[%mul3A_7, %dma_wait3A_30] : memref<10000x32xf32, #tpu.memory_space<hbm>> -> memref<625x32xf32, #tpu.memory_space<hbm>>
      tpu.wait_dma2 semaphore(%run_scoped3A : memref<!tpu.dma_semaphore, #tpu.memory_space<semaphore_mem>>) src(%dma_wait3A_31 : memref<625x32xf32, #tpu.memory_space<hbm>>) dst(%dma_wait3A_29 : memref<625x32xf32, #tpu.memory_space<vmem_shared>>)
      tpu.yield
    }) : () -> ()
    %scan3A = arith.constant 0 : i32
    %scan3A_10 = arith.constant 0 : i32
    %scan3A_11 = arith.constant 500 : i32
    %scan3A_12 = arith.addi %scan3A_10, %scan3A_11 : i32
    %scan3A_13 = arith.constant 1 : i32
    scf.for %scan3A_26 = %scan3A_10 to %scan3A_12 step %scan3A_13  : i32 {
      %swap3A = arith.index_cast %scan3A_26 : i32 to index
      %swap3A_27 = arith.constant 16 : index
      %swap3A_28 = tpu.vector_load %arg12[%swap3A, %swap3A_27] {strides = array<i32>} : memref<500x32xf32, #tpu.memory_space<vmem>>, vector<16xf32>,
      tpu.vector_store %arg12[%swap3A, %swap3A_27], %broadcast_in_dim3A_1 {strides = array<i32>} : memref<500x32xf32, #tpu.memory_space<vmem>>, vector<16xf32>,
    }
    %scan3A_14 = arith.constant 500 : i32
    %barrier3A = arith.constant 0 : index
    tpu.barrier barrier_id(%barrier3A)
    %scan3A_15 = arith.constant 0 : i32
    %scan3A_16 = arith.constant 0 : i32
    %scan3A_17 = arith.constant 5 : i32
    %scan3A_18 = arith.addi %scan3A_16, %scan3A_17 : i32
    %scan3A_19 = arith.constant 1 : i32
    scf.for %scan3A_26 = %scan3A_16 to %scan3A_18 step %scan3A_19  : i32 {
      %mul3A_27 = arith.constant 2500 : i32
      %mul3A_28 = arith.muli %add3A, %mul3A_27 : i32
      %mul3A_29 = arith.constant 500 : i32
      %mul3A_30 = arith.muli %scan3A_26, %mul3A_29 : i32
      %add3A_31 = arith.addi %mul3A_28, %mul3A_30 : i32
      %dma_start3A = arith.constant 0 : i32
      %dma_start3A_32 = tpu.memref_slice %arg8[%scan3A_26, %dma_start3A] : memref<5x500xi32, #tpu.memory_space<vmem>> -> memref<1x500xi32, #tpu.memory_space<vmem>>
      %dma_start3A_33 = tpu.memref_squeeze %dma_start3A_32 : memref<1x500xi32, #tpu.memory_space<vmem>> -> memref<500xi32, #tpu.memory_space<vmem>>
      %dma_start3A_34 = arith.constant 0 : i32
      %dma_start3A_35 = arith.constant 0 : i32
      %dma_start3A_36 = tpu.memref_slice %arg5[%dma_start3A_34, %dma_start3A_35] : memref<10000x16xf32, #tpu.memory_space<hbm>> -> memref<10000x16xf32, #tpu.memory_space<hbm>>
      tpu.enqueue_indirect_dma source(%dma_start3A_36 : memref<10000x16xf32, #tpu.memory_space<hbm>>) target(%arg10 : memref<500x16xf32, #tpu.memory_space<vmem>>) offsets(%dma_start3A_33 : memref<500xi32, #tpu.memory_space<vmem>>) semaphore(%arg14 : memref<!tpu.dma_semaphore, #tpu.memory_space<semaphore_mem>>)
      %dma_wait3A = arith.constant 0 : i32
      %dma_wait3A_37 = tpu.memref_slice %arg8[%scan3A_26, %dma_wait3A] : memref<5x500xi32, #tpu.memory_space<vmem>> -> memref<1x500xi32, #tpu.memory_space<vmem>>
      %dma_wait3A_38 = tpu.memref_squeeze %dma_wait3A_37 : memref<1x500xi32, #tpu.memory_space<vmem>> -> memref<500xi32, #tpu.memory_space<vmem>>
      %dma_wait3A_39 = arith.constant 0 : i32
      %dma_wait3A_40 = arith.constant 0 : i32
      %dma_wait3A_41 = tpu.memref_slice %arg5[%dma_wait3A_39, %dma_wait3A_40] : memref<10000x16xf32, #tpu.memory_space<hbm>> -> memref<10000x16xf32, #tpu.memory_space<hbm>>
      tpu.wait_indirect_dma semaphore(%arg14 : memref<!tpu.dma_semaphore, #tpu.memory_space<semaphore_mem>>) src(%dma_wait3A_41 : memref<10000x16xf32, #tpu.memory_space<hbm>>) dst(%arg10 : memref<500x16xf32, #tpu.memory_space<vmem>>)
      "tpu.region"() ({
        %run_scoped3A = tpu.sem_alloc : memref<!tpu.dma_semaphore, #tpu.memory_space<semaphore_mem>>
        %dma_start3A_48 = arith.constant 0 : i32
        %dma_start3A_49 = tpu.memref_slice %arg2[%add3A_31, %dma_start3A_48] : memref<80000x128xf32, #tpu.memory_space<hbm>> -> memref<500x128xf32, #tpu.memory_space<hbm>>
        %dma_start3A_50 = arith.constant 0 : i32
        %dma_start3A_51 = tpu.memref_slice %arg2[%add3A_31, %dma_start3A_50] : memref<80000x128xf32, #tpu.memory_space<hbm>> -> memref<500x128xf32, #tpu.memory_space<hbm>>
        tpu.enqueue_dma source(%dma_start3A_51 : memref<500x128xf32, #tpu.memory_space<hbm>>) target(%arg11 : memref<500x128xf32, #tpu.memory_space<vmem>>) target_semaphore(%run_scoped3A : memref<!tpu.dma_semaphore, #tpu.memory_space<semaphore_mem>>)
        %dma_wait3A_52 = arith.constant 0 : i32
        %dma_wait3A_53 = tpu.memref_slice %arg2[%add3A_31, %dma_wait3A_52] : memref<80000x128xf32, #tpu.memory_space<hbm>> -> memref<500x128xf32, #tpu.memory_space<hbm>>
        %dma_wait3A_54 = arith.constant 0 : i32
        %dma_wait3A_55 = tpu.memref_slice %arg2[%add3A_31, %dma_wait3A_54] : memref<80000x128xf32, #tpu.memory_space<hbm>> -> memref<500x128xf32, #tpu.memory_space<hbm>>
        tpu.wait_dma2 semaphore(%run_scoped3A : memref<!tpu.dma_semaphore, #tpu.memory_space<semaphore_mem>>) src(%dma_wait3A_55 : memref<500x128xf32, #tpu.memory_space<hbm>>) dst(%arg11 : memref<500x128xf32, #tpu.memory_space<vmem>>)
        tpu.yield
      }) : () -> ()
      %scan3A_42 = arith.constant 0 : i32
      %scan3A_43 = arith.constant 0 : i32
      %scan3A_44 = arith.constant 125 : i32
      %scan3A_45 = arith.addi %scan3A_43, %scan3A_44 : i32
      %scan3A_46 = arith.constant 1 : i32
      scf.for %scan3A_48 = %scan3A_43 to %scan3A_45 step %scan3A_46  : i32 {
        %mul3A_49 = arith.constant 4 : i32
        %mul3A_50 = arith.muli %scan3A_48, %mul3A_49 : i32
        %add3A_51 = arith.constant 0 : i32
        %add3A_52 = arith.addi %mul3A_50, %add3A_51 : i32
        %get3A = arith.index_cast %add3A_52 : i32 to index
        %get3A_53 = arith.constant 0 : index
        %get3A_54 = tpu.vector_load %arg10[%get3A, %get3A_53] {strides = array<i32>} : memref<500x16xf32, #tpu.memory_space<vmem>>, vector<16xf32>,
        %slice3A = vector.extract_strided_slice %get3A_54 {offsets = [0], sizes = [1], strides = [1]} : vector<16xf32> to vector<1xf32>
        %squeeze3A = vector.extract %slice3A[0] : f32 from vector<1xf32>
        %get3A_55 = arith.index_cast %add3A_52 : i32 to index
        %get3A_56 = arith.constant 0 : index
        %get3A_57 = tpu.vector_load %arg11[%get3A_55, %get3A_56] {strides = array<i32>} : memref<500x128xf32, #tpu.memory_space<vmem>>, vector<16xf32>,
        %mul3A_58 = vector.broadcast %squeeze3A : f32 to vector<16xf32>
        %mul3A_59 = arith.mulf %mul3A_58, %get3A_57 : vector<16xf32>
        %slice3A_60 = vector.extract_strided_slice %get3A_54 {offsets = [1], sizes = [1], strides = [1]} : vector<16xf32> to vector<1xf32>
        %squeeze3A_61 = vector.extract %slice3A_60[0] : f32 from vector<1xf32>
        %get3A_62 = arith.index_cast %add3A_52 : i32 to index
        %get3A_63 = arith.constant 16 : index
        %get3A_64 = tpu.vector_load %arg11[%get3A_62, %get3A_63] {strides = array<i32>} : memref<500x128xf32, #tpu.memory_space<vmem>>, vector<16xf32>,
        %mul3A_65 = vector.broadcast %squeeze3A_61 : f32 to vector<16xf32>
        %mul3A_66 = arith.mulf %mul3A_65, %get3A_64 : vector<16xf32>
        %add3A_67 = arith.addf %mul3A_59, %mul3A_66 : vector<16xf32>
        %slice3A_68 = vector.extract_strided_slice %get3A_54 {offsets = [2], sizes = [1], strides = [1]} : vector<16xf32> to vector<1xf32>
        %squeeze3A_69 = vector.extract %slice3A_68[0] : f32 from vector<1xf32>
        %get3A_70 = arith.index_cast %add3A_52 : i32 to index
        %get3A_71 = arith.constant 32 : index
        %get3A_72 = tpu.vector_load %arg11[%get3A_70, %get3A_71] {strides = array<i32>} : memref<500x128xf32, #tpu.memory_space<vmem>>, vector<16xf32>,
        %mul3A_73 = vector.broadcast %squeeze3A_69 : f32 to vector<16xf32>
        %mul3A_74 = arith.mulf %mul3A_73, %get3A_72 : vector<16xf32>
        %add3A_75 = arith.addf %add3A_67, %mul3A_74 : vector<16xf32>
        %slice3A_76 = vector.extract_strided_slice %get3A_54 {offsets = [3], sizes = [1], strides = [1]} : vector<16xf32> to vector<1xf32>
        %squeeze3A_77 = vector.extract %slice3A_76[0] : f32 from vector<1xf32>
        %get3A_78 = arith.index_cast %add3A_52 : i32 to index
        %get3A_79 = arith.constant 48 : index
        %get3A_80 = tpu.vector_load %arg11[%get3A_78, %get3A_79] {strides = array<i32>} : memref<500x128xf32, #tpu.memory_space<vmem>>, vector<16xf32>,
        %mul3A_81 = vector.broadcast %squeeze3A_77 : f32 to vector<16xf32>
        %mul3A_82 = arith.mulf %mul3A_81, %get3A_80 : vector<16xf32>
        %add3A_83 = arith.addf %add3A_75, %mul3A_82 : vector<16xf32>
        %slice3A_84 = vector.extract_strided_slice %get3A_54 {offsets = [4], sizes = [1], strides = [1]} : vector<16xf32> to vector<1xf32>
        %squeeze3A_85 = vector.extract %slice3A_84[0] : f32 from vector<1xf32>
        %get3A_86 = arith.index_cast %add3A_52 : i32 to index
        %get3A_87 = arith.constant 64 : index
        %get3A_88 = tpu.vector_load %arg11[%get3A_86, %get3A_87] {strides = array<i32>} : memref<500x128xf32, #tpu.memory_space<vmem>>, vector<16xf32>,
        %mul3A_89 = vector.broadcast %squeeze3A_85 : f32 to vector<16xf32>
        %mul3A_90 = arith.mulf %mul3A_89, %get3A_88 : vector<16xf32>
        %add3A_91 = arith.addf %add3A_83, %mul3A_90 : vector<16xf32>
        %slice3A_92 = vector.extract_strided_slice %get3A_54 {offsets = [5], sizes = [1], strides = [1]} : vector<16xf32> to vector<1xf32>
        %squeeze3A_93 = vector.extract %slice3A_92[0] : f32 from vector<1xf32>
        %get3A_94 = arith.index_cast %add3A_52 : i32 to index
        %get3A_95 = arith.constant 80 : index
        %get3A_96 = tpu.vector_load %arg11[%get3A_94, %get3A_95] {strides = array<i32>} : memref<500x128xf32, #tpu.memory_space<vmem>>, vector<16xf32>,
        %mul3A_97 = vector.broadcast %squeeze3A_93 : f32 to vector<16xf32>
        %mul3A_98 = arith.mulf %mul3A_97, %get3A_96 : vector<16xf32>
        %add3A_99 = arith.addf %add3A_91, %mul3A_98 : vector<16xf32>
        %slice3A_100 = vector.extract_strided_slice %get3A_54 {offsets = [6], sizes = [1], strides = [1]} : vector<16xf32> to vector<1xf32>
        %squeeze3A_101 = vector.extract %slice3A_100[0] : f32 from vector<1xf32>
        %get3A_102 = arith.index_cast %add3A_52 : i32 to index
        %get3A_103 = arith.constant 96 : index
        %get3A_104 = tpu.vector_load %arg11[%get3A_102, %get3A_103] {strides = array<i32>} : memref<500x128xf32, #tpu.memory_space<vmem>>, vector<16xf32>,
        %mul3A_105 = vector.broadcast %squeeze3A_101 : f32 to vector<16xf32>
        %mul3A_106 = arith.mulf %mul3A_105, %get3A_104 : vector<16xf32>
        %add3A_107 = arith.addf %add3A_99, %mul3A_106 : vector<16xf32>
        %slice3A_108 = vector.extract_strided_slice %get3A_54 {offsets = [7], sizes = [1], strides = [1]} : vector<16xf32> to vector<1xf32>
        %squeeze3A_109 = vector.extract %slice3A_108[0] : f32 from vector<1xf32>
        %get3A_110 = arith.index_cast %add3A_52 : i32 to index
        %get3A_111 = arith.constant 112 : index
        %get3A_112 = tpu.vector_load %arg11[%get3A_110, %get3A_111] {strides = array<i32>} : memref<500x128xf32, #tpu.memory_space<vmem>>, vector<16xf32>,
        %mul3A_113 = vector.broadcast %squeeze3A_109 : f32 to vector<16xf32>
        %mul3A_114 = arith.mulf %mul3A_113, %get3A_112 : vector<16xf32>
        %add3A_115 = arith.addf %add3A_107, %mul3A_114 : vector<16xf32>
        %swap3A = arith.index_cast %add3A_52 : i32 to index
        %swap3A_116 = arith.constant 0 : index
        %swap3A_117 = tpu.vector_load %arg12[%swap3A, %swap3A_116] {strides = array<i32>} : memref<500x32xf32, #tpu.memory_space<vmem>>, vector<16xf32>,
        tpu.vector_store %arg12[%swap3A, %swap3A_116], %add3A_115 {strides = array<i32>} : memref<500x32xf32, #tpu.memory_space<vmem>>, vector<16xf32>,
        %mul3A_118 = arith.constant 4 : i32
        %mul3A_119 = arith.muli %scan3A_48, %mul3A_118 : i32
        %add3A_120 = arith.constant 1 : i32
        %add3A_121 = arith.addi %mul3A_119, %add3A_120 : i32
        %get3A_122 = arith.index_cast %add3A_121 : i32 to index
        %get3A_123 = arith.constant 0 : index
        %get3A_124 = tpu.vector_load %arg10[%get3A_122, %get3A_123] {strides = array<i32>} : memref<500x16xf32, #tpu.memory_space<vmem>>, vector<16xf32>,
        %slice3A_125 = vector.extract_strided_slice %get3A_124 {offsets = [0], sizes = [1], strides = [1]} : vector<16xf32> to vector<1xf32>
        %squeeze3A_126 = vector.extract %slice3A_125[0] : f32 from vector<1xf32>
        %get3A_127 = arith.index_cast %add3A_121 : i32 to index
        %get3A_128 = arith.constant 0 : index
        %get3A_129 = tpu.vector_load %arg11[%get3A_127, %get3A_128] {strides = array<i32>} : memref<500x128xf32, #tpu.memory_space<vmem>>, vector<16xf32>,
        %mul3A_130 = vector.broadcast %squeeze3A_126 : f32 to vector<16xf32>
        %mul3A_131 = arith.mulf %mul3A_130, %get3A_129 : vector<16xf32>
        %slice3A_132 = vector.extract_strided_slice %get3A_124 {offsets = [1], sizes = [1], strides = [1]} : vector<16xf32> to vector<1xf32>
        %squeeze3A_133 = vector.extract %slice3A_132[0] : f32 from vector<1xf32>
        %get3A_134 = arith.index_cast %add3A_121 : i32 to index
        %get3A_135 = arith.constant 16 : index
        %get3A_136 = tpu.vector_load %arg11[%get3A_134, %get3A_135] {strides = array<i32>} : memref<500x128xf32, #tpu.memory_space<vmem>>, vector<16xf32>,
        %mul3A_137 = vector.broadcast %squeeze3A_133 : f32 to vector<16xf32>
        %mul3A_138 = arith.mulf %mul3A_137, %get3A_136 : vector<16xf32>
        %add3A_139 = arith.addf %mul3A_131, %mul3A_138 : vector<16xf32>
        %slice3A_140 = vector.extract_strided_slice %get3A_124 {offsets = [2], sizes = [1], strides = [1]} : vector<16xf32> to vector<1xf32>
        %squeeze3A_141 = vector.extract %slice3A_140[0] : f32 from vector<1xf32>
        %get3A_142 = arith.index_cast %add3A_121 : i32 to index
        %get3A_143 = arith.constant 32 : index
        %get3A_144 = tpu.vector_load %arg11[%get3A_142, %get3A_143] {strides = array<i32>} : memref<500x128xf32, #tpu.memory_space<vmem>>, vector<16xf32>,
        %mul3A_145 = vector.broadcast %squeeze3A_141 : f32 to vector<16xf32>
        %mul3A_146 = arith.mulf %mul3A_145, %get3A_144 : vector<16xf32>
        %add3A_147 = arith.addf %add3A_139, %mul3A_146 : vector<16xf32>
        %slice3A_148 = vector.extract_strided_slice %get3A_124 {offsets = [3], sizes = [1], strides = [1]} : vector<16xf32> to vector<1xf32>
        %squeeze3A_149 = vector.extract %slice3A_148[0] : f32 from vector<1xf32>
        %get3A_150 = arith.index_cast %add3A_121 : i32 to index
        %get3A_151 = arith.constant 48 : index
        %get3A_152 = tpu.vector_load %arg11[%get3A_150, %get3A_151] {strides = array<i32>} : memref<500x128xf32, #tpu.memory_space<vmem>>, vector<16xf32>,
        %mul3A_153 = vector.broadcast %squeeze3A_149 : f32 to vector<16xf32>
        %mul3A_154 = arith.mulf %mul3A_153, %get3A_152 : vector<16xf32>
        %add3A_155 = arith.addf %add3A_147, %mul3A_154 : vector<16xf32>
        %slice3A_156 = vector.extract_strided_slice %get3A_124 {offsets = [4], sizes = [1], strides = [1]} : vector<16xf32> to vector<1xf32>
        %squeeze3A_157 = vector.extract %slice3A_156[0] : f32 from vector<1xf32>
        %get3A_158 = arith.index_cast %add3A_121 : i32 to index
        %get3A_159 = arith.constant 64 : index
        %get3A_160 = tpu.vector_load %arg11[%get3A_158, %get3A_159] {strides = array<i32>} : memref<500x128xf32, #tpu.memory_space<vmem>>, vector<16xf32>,
        %mul3A_161 = vector.broadcast %squeeze3A_157 : f32 to vector<16xf32>
        %mul3A_162 = arith.mulf %mul3A_161, %get3A_160 : vector<16xf32>
        %add3A_163 = arith.addf %add3A_155, %mul3A_162 : vector<16xf32>
        %slice3A_164 = vector.extract_strided_slice %get3A_124 {offsets = [5], sizes = [1], strides = [1]} : vector<16xf32> to vector<1xf32>
        %squeeze3A_165 = vector.extract %slice3A_164[0] : f32 from vector<1xf32>
        %get3A_166 = arith.index_cast %add3A_121 : i32 to index
        %get3A_167 = arith.constant 80 : index
        %get3A_168 = tpu.vector_load %arg11[%get3A_166, %get3A_167] {strides = array<i32>} : memref<500x128xf32, #tpu.memory_space<vmem>>, vector<16xf32>,
        %mul3A_169 = vector.broadcast %squeeze3A_165 : f32 to vector<16xf32>
        %mul3A_170 = arith.mulf %mul3A_169, %get3A_168 : vector<16xf32>
        %add3A_171 = arith.addf %add3A_163, %mul3A_170 : vector<16xf32>
        %slice3A_172 = vector.extract_strided_slice %get3A_124 {offsets = [6], sizes = [1], strides = [1]} : vector<16xf32> to vector<1xf32>
        %squeeze3A_173 = vector.extract %slice3A_172[0] : f32 from vector<1xf32>
        %get3A_174 = arith.index_cast %add3A_121 : i32 to index
        %get3A_175 = arith.constant 96 : index
        %get3A_176 = tpu.vector_load %arg11[%get3A_174, %get3A_175] {strides = array<i32>} : memref<500x128xf32, #tpu.memory_space<vmem>>, vector<16xf32>,
        %mul3A_177 = vector.broadcast %squeeze3A_173 : f32 to vector<16xf32>
        %mul3A_178 = arith.mulf %mul3A_177, %get3A_176 : vector<16xf32>
        %add3A_179 = arith.addf %add3A_171, %mul3A_178 : vector<16xf32>
        %slice3A_180 = vector.extract_strided_slice %get3A_124 {offsets = [7], sizes = [1], strides = [1]} : vector<16xf32> to vector<1xf32>
        %squeeze3A_181 = vector.extract %slice3A_180[0] : f32 from vector<1xf32>
        %get3A_182 = arith.index_cast %add3A_121 : i32 to index
        %get3A_183 = arith.constant 112 : index
        %get3A_184 = tpu.vector_load %arg11[%get3A_182, %get3A_183] {strides = array<i32>} : memref<500x128xf32, #tpu.memory_space<vmem>>, vector<16xf32>,
        %mul3A_185 = vector.broadcast %squeeze3A_181 : f32 to vector<16xf32>
        %mul3A_186 = arith.mulf %mul3A_185, %get3A_184 : vector<16xf32>
        %add3A_187 = arith.addf %add3A_179, %mul3A_186 : vector<16xf32>
        %swap3A_188 = arith.index_cast %add3A_121 : i32 to index
        %swap3A_189 = arith.constant 0 : index
        %swap3A_190 = tpu.vector_load %arg12[%swap3A_188, %swap3A_189] {strides = array<i32>} : memref<500x32xf32, #tpu.memory_space<vmem>>, vector<16xf32>,
        tpu.vector_store %arg12[%swap3A_188, %swap3A_189], %add3A_187 {strides = array<i32>} : memref<500x32xf32, #tpu.memory_space<vmem>>, vector<16xf32>,
        %mul3A_191 = arith.constant 4 : i32
        %mul3A_192 = arith.muli %scan3A_48, %mul3A_191 : i32
        %add3A_193 = arith.constant 2 : i32
        %add3A_194 = arith.addi %mul3A_192, %add3A_193 : i32
        %get3A_195 = arith.index_cast %add3A_194 : i32 to index
        %get3A_196 = arith.constant 0 : index
        %get3A_197 = tpu.vector_load %arg10[%get3A_195, %get3A_196] {strides = array<i32>} : memref<500x16xf32, #tpu.memory_space<vmem>>, vector<16xf32>,
        %slice3A_198 = vector.extract_strided_slice %get3A_197 {offsets = [0], sizes = [1], strides = [1]} : vector<16xf32> to vector<1xf32>
        %squeeze3A_199 = vector.extract %slice3A_198[0] : f32 from vector<1xf32>
        %get3A_200 = arith.index_cast %add3A_194 : i32 to index
        %get3A_201 = arith.constant 0 : index
        %get3A_202 = tpu.vector_load %arg11[%get3A_200, %get3A_201] {strides = array<i32>} : memref<500x128xf32, #tpu.memory_space<vmem>>, vector<16xf32>,
        %mul3A_203 = vector.broadcast %squeeze3A_199 : f32 to vector<16xf32>
        %mul3A_204 = arith.mulf %mul3A_203, %get3A_202 : vector<16xf32>
        %slice3A_205 = vector.extract_strided_slice %get3A_197 {offsets = [1], sizes = [1], strides = [1]} : vector<16xf32> to vector<1xf32>
        %squeeze3A_206 = vector.extract %slice3A_205[0] : f32 from vector<1xf32>
        %get3A_207 = arith.index_cast %add3A_194 : i32 to index
        %get3A_208 = arith.constant 16 : index
        %get3A_209 = tpu.vector_load %arg11[%get3A_207, %get3A_208] {strides = array<i32>} : memref<500x128xf32, #tpu.memory_space<vmem>>, vector<16xf32>,
        %mul3A_210 = vector.broadcast %squeeze3A_206 : f32 to vector<16xf32>
        %mul3A_211 = arith.mulf %mul3A_210, %get3A_209 : vector<16xf32>
        %add3A_212 = arith.addf %mul3A_204, %mul3A_211 : vector<16xf32>
        %slice3A_213 = vector.extract_strided_slice %get3A_197 {offsets = [2], sizes = [1], strides = [1]} : vector<16xf32> to vector<1xf32>
        %squeeze3A_214 = vector.extract %slice3A_213[0] : f32 from vector<1xf32>
        %get3A_215 = arith.index_cast %add3A_194 : i32 to index
        %get3A_216 = arith.constant 32 : index
        %get3A_217 = tpu.vector_load %arg11[%get3A_215, %get3A_216] {strides = array<i32>} : memref<500x128xf32, #tpu.memory_space<vmem>>, vector<16xf32>,
        %mul3A_218 = vector.broadcast %squeeze3A_214 : f32 to vector<16xf32>
        %mul3A_219 = arith.mulf %mul3A_218, %get3A_217 : vector<16xf32>
        %add3A_220 = arith.addf %add3A_212, %mul3A_219 : vector<16xf32>
        %slice3A_221 = vector.extract_strided_slice %get3A_197 {offsets = [3], sizes = [1], strides = [1]} : vector<16xf32> to vector<1xf32>
        %squeeze3A_222 = vector.extract %slice3A_221[0] : f32 from vector<1xf32>
        %get3A_223 = arith.index_cast %add3A_194 : i32 to index
        %get3A_224 = arith.constant 48 : index
        %get3A_225 = tpu.vector_load %arg11[%get3A_223, %get3A_224] {strides = array<i32>} : memref<500x128xf32, #tpu.memory_space<vmem>>, vector<16xf32>,
        %mul3A_226 = vector.broadcast %squeeze3A_222 : f32 to vector<16xf32>
        %mul3A_227 = arith.mulf %mul3A_226, %get3A_225 : vector<16xf32>
        %add3A_228 = arith.addf %add3A_220, %mul3A_227 : vector<16xf32>
        %slice3A_229 = vector.extract_strided_slice %get3A_197 {offsets = [4], sizes = [1], strides = [1]} : vector<16xf32> to vector<1xf32>
        %squeeze3A_230 = vector.extract %slice3A_229[0] : f32 from vector<1xf32>
        %get3A_231 = arith.index_cast %add3A_194 : i32 to index
        %get3A_232 = arith.constant 64 : index
        %get3A_233 = tpu.vector_load %arg11[%get3A_231, %get3A_232] {strides = array<i32>} : memref<500x128xf32, #tpu.memory_space<vmem>>, vector<16xf32>,
        %mul3A_234 = vector.broadcast %squeeze3A_230 : f32 to vector<16xf32>
        %mul3A_235 = arith.mulf %mul3A_234, %get3A_233 : vector<16xf32>
        %add3A_236 = arith.addf %add3A_228, %mul3A_235 : vector<16xf32>
        %slice3A_237 = vector.extract_strided_slice %get3A_197 {offsets = [5], sizes = [1], strides = [1]} : vector<16xf32> to vector<1xf32>
        %squeeze3A_238 = vector.extract %slice3A_237[0] : f32 from vector<1xf32>
        %get3A_239 = arith.index_cast %add3A_194 : i32 to index
        %get3A_240 = arith.constant 80 : index
        %get3A_241 = tpu.vector_load %arg11[%get3A_239, %get3A_240] {strides = array<i32>} : memref<500x128xf32, #tpu.memory_space<vmem>>, vector<16xf32>,
        %mul3A_242 = vector.broadcast %squeeze3A_238 : f32 to vector<16xf32>
        %mul3A_243 = arith.mulf %mul3A_242, %get3A_241 : vector<16xf32>
        %add3A_244 = arith.addf %add3A_236, %mul3A_243 : vector<16xf32>
        %slice3A_245 = vector.extract_strided_slice %get3A_197 {offsets = [6], sizes = [1], strides = [1]} : vector<16xf32> to vector<1xf32>
        %squeeze3A_246 = vector.extract %slice3A_245[0] : f32 from vector<1xf32>
        %get3A_247 = arith.index_cast %add3A_194 : i32 to index
        %get3A_248 = arith.constant 96 : index
        %get3A_249 = tpu.vector_load %arg11[%get3A_247, %get3A_248] {strides = array<i32>} : memref<500x128xf32, #tpu.memory_space<vmem>>, vector<16xf32>,
        %mul3A_250 = vector.broadcast %squeeze3A_246 : f32 to vector<16xf32>
        %mul3A_251 = arith.mulf %mul3A_250, %get3A_249 : vector<16xf32>
        %add3A_252 = arith.addf %add3A_244, %mul3A_251 : vector<16xf32>
        %slice3A_253 = vector.extract_strided_slice %get3A_197 {offsets = [7], sizes = [1], strides = [1]} : vector<16xf32> to vector<1xf32>
        %squeeze3A_254 = vector.extract %slice3A_253[0] : f32 from vector<1xf32>
        %get3A_255 = arith.index_cast %add3A_194 : i32 to index
        %get3A_256 = arith.constant 112 : index
        %get3A_257 = tpu.vector_load %arg11[%get3A_255, %get3A_256] {strides = array<i32>} : memref<500x128xf32, #tpu.memory_space<vmem>>, vector<16xf32>,
        %mul3A_258 = vector.broadcast %squeeze3A_254 : f32 to vector<16xf32>
        %mul3A_259 = arith.mulf %mul3A_258, %get3A_257 : vector<16xf32>
        %add3A_260 = arith.addf %add3A_252, %mul3A_259 : vector<16xf32>
        %swap3A_261 = arith.index_cast %add3A_194 : i32 to index
        %swap3A_262 = arith.constant 0 : index
        %swap3A_263 = tpu.vector_load %arg12[%swap3A_261, %swap3A_262] {strides = array<i32>} : memref<500x32xf32, #tpu.memory_space<vmem>>, vector<16xf32>,
        tpu.vector_store %arg12[%swap3A_261, %swap3A_262], %add3A_260 {strides = array<i32>} : memref<500x32xf32, #tpu.memory_space<vmem>>, vector<16xf32>,
        %mul3A_264 = arith.constant 4 : i32
        %mul3A_265 = arith.muli %scan3A_48, %mul3A_264 : i32
        %add3A_266 = arith.constant 3 : i32
        %add3A_267 = arith.addi %mul3A_265, %add3A_266 : i32
        %get3A_268 = arith.index_cast %add3A_267 : i32 to index
        %get3A_269 = arith.constant 0 : index
        %get3A_270 = tpu.vector_load %arg10[%get3A_268, %get3A_269] {strides = array<i32>} : memref<500x16xf32, #tpu.memory_space<vmem>>, vector<16xf32>,
        %slice3A_271 = vector.extract_strided_slice %get3A_270 {offsets = [0], sizes = [1], strides = [1]} : vector<16xf32> to vector<1xf32>
        %squeeze3A_272 = vector.extract %slice3A_271[0] : f32 from vector<1xf32>
        %get3A_273 = arith.index_cast %add3A_267 : i32 to index
        %get3A_274 = arith.constant 0 : index
        %get3A_275 = tpu.vector_load %arg11[%get3A_273, %get3A_274] {strides = array<i32>} : memref<500x128xf32, #tpu.memory_space<vmem>>, vector<16xf32>,
        %mul3A_276 = vector.broadcast %squeeze3A_272 : f32 to vector<16xf32>
        %mul3A_277 = arith.mulf %mul3A_276, %get3A_275 : vector<16xf32>
        %slice3A_278 = vector.extract_strided_slice %get3A_270 {offsets = [1], sizes = [1], strides = [1]} : vector<16xf32> to vector<1xf32>
        %squeeze3A_279 = vector.extract %slice3A_278[0] : f32 from vector<1xf32>
        %get3A_280 = arith.index_cast %add3A_267 : i32 to index
        %get3A_281 = arith.constant 16 : index
        %get3A_282 = tpu.vector_load %arg11[%get3A_280, %get3A_281] {strides = array<i32>} : memref<500x128xf32, #tpu.memory_space<vmem>>, vector<16xf32>,
        %mul3A_283 = vector.broadcast %squeeze3A_279 : f32 to vector<16xf32>
        %mul3A_284 = arith.mulf %mul3A_283, %get3A_282 : vector<16xf32>
        %add3A_285 = arith.addf %mul3A_277, %mul3A_284 : vector<16xf32>
        %slice3A_286 = vector.extract_strided_slice %get3A_270 {offsets = [2], sizes = [1], strides = [1]} : vector<16xf32> to vector<1xf32>
        %squeeze3A_287 = vector.extract %slice3A_286[0] : f32 from vector<1xf32>
        %get3A_288 = arith.index_cast %add3A_267 : i32 to index
        %get3A_289 = arith.constant 32 : index
        %get3A_290 = tpu.vector_load %arg11[%get3A_288, %get3A_289] {strides = array<i32>} : memref<500x128xf32, #tpu.memory_space<vmem>>, vector<16xf32>,
        %mul3A_291 = vector.broadcast %squeeze3A_287 : f32 to vector<16xf32>
        %mul3A_292 = arith.mulf %mul3A_291, %get3A_290 : vector<16xf32>
        %add3A_293 = arith.addf %add3A_285, %mul3A_292 : vector<16xf32>
        %slice3A_294 = vector.extract_strided_slice %get3A_270 {offsets = [3], sizes = [1], strides = [1]} : vector<16xf32> to vector<1xf32>
        %squeeze3A_295 = vector.extract %slice3A_294[0] : f32 from vector<1xf32>
        %get3A_296 = arith.index_cast %add3A_267 : i32 to index
        %get3A_297 = arith.constant 48 : index
        %get3A_298 = tpu.vector_load %arg11[%get3A_296, %get3A_297] {strides = array<i32>} : memref<500x128xf32, #tpu.memory_space<vmem>>, vector<16xf32>,
        %mul3A_299 = vector.broadcast %squeeze3A_295 : f32 to vector<16xf32>
        %mul3A_300 = arith.mulf %mul3A_299, %get3A_298 : vector<16xf32>
        %add3A_301 = arith.addf %add3A_293, %mul3A_300 : vector<16xf32>
        %slice3A_302 = vector.extract_strided_slice %get3A_270 {offsets = [4], sizes = [1], strides = [1]} : vector<16xf32> to vector<1xf32>
        %squeeze3A_303 = vector.extract %slice3A_302[0] : f32 from vector<1xf32>
        %get3A_304 = arith.index_cast %add3A_267 : i32 to index
        %get3A_305 = arith.constant 64 : index
        %get3A_306 = tpu.vector_load %arg11[%get3A_304, %get3A_305] {strides = array<i32>} : memref<500x128xf32, #tpu.memory_space<vmem>>, vector<16xf32>,
        %mul3A_307 = vector.broadcast %squeeze3A_303 : f32 to vector<16xf32>
        %mul3A_308 = arith.mulf %mul3A_307, %get3A_306 : vector<16xf32>
        %add3A_309 = arith.addf %add3A_301, %mul3A_308 : vector<16xf32>
        %slice3A_310 = vector.extract_strided_slice %get3A_270 {offsets = [5], sizes = [1], strides = [1]} : vector<16xf32> to vector<1xf32>
        %squeeze3A_311 = vector.extract %slice3A_310[0] : f32 from vector<1xf32>
        %get3A_312 = arith.index_cast %add3A_267 : i32 to index
        %get3A_313 = arith.constant 80 : index
        %get3A_314 = tpu.vector_load %arg11[%get3A_312, %get3A_313] {strides = array<i32>} : memref<500x128xf32, #tpu.memory_space<vmem>>, vector<16xf32>,
        %mul3A_315 = vector.broadcast %squeeze3A_311 : f32 to vector<16xf32>
        %mul3A_316 = arith.mulf %mul3A_315, %get3A_314 : vector<16xf32>
        %add3A_317 = arith.addf %add3A_309, %mul3A_316 : vector<16xf32>
        %slice3A_318 = vector.extract_strided_slice %get3A_270 {offsets = [6], sizes = [1], strides = [1]} : vector<16xf32> to vector<1xf32>
        %squeeze3A_319 = vector.extract %slice3A_318[0] : f32 from vector<1xf32>
        %get3A_320 = arith.index_cast %add3A_267 : i32 to index
        %get3A_321 = arith.constant 96 : index
        %get3A_322 = tpu.vector_load %arg11[%get3A_320, %get3A_321] {strides = array<i32>} : memref<500x128xf32, #tpu.memory_space<vmem>>, vector<16xf32>,
        %mul3A_323 = vector.broadcast %squeeze3A_319 : f32 to vector<16xf32>
        %mul3A_324 = arith.mulf %mul3A_323, %get3A_322 : vector<16xf32>
        %add3A_325 = arith.addf %add3A_317, %mul3A_324 : vector<16xf32>
        %slice3A_326 = vector.extract_strided_slice %get3A_270 {offsets = [7], sizes = [1], strides = [1]} : vector<16xf32> to vector<1xf32>
        %squeeze3A_327 = vector.extract %slice3A_326[0] : f32 from vector<1xf32>
        %get3A_328 = arith.index_cast %add3A_267 : i32 to index
        %get3A_329 = arith.constant 112 : index
        %get3A_330 = tpu.vector_load %arg11[%get3A_328, %get3A_329] {strides = array<i32>} : memref<500x128xf32, #tpu.memory_space<vmem>>, vector<16xf32>,
        %mul3A_331 = vector.broadcast %squeeze3A_327 : f32 to vector<16xf32>
        %mul3A_332 = arith.mulf %mul3A_331, %get3A_330 : vector<16xf32>
        %add3A_333 = arith.addf %add3A_325, %mul3A_332 : vector<16xf32>
        %swap3A_334 = arith.index_cast %add3A_267 : i32 to index
        %swap3A_335 = arith.constant 0 : index
        %swap3A_336 = tpu.vector_load %arg12[%swap3A_334, %swap3A_335] {strides = array<i32>} : memref<500x32xf32, #tpu.memory_space<vmem>>, vector<16xf32>,
        tpu.vector_store %arg12[%swap3A_334, %swap3A_335], %add3A_333 {strides = array<i32>} : memref<500x32xf32, #tpu.memory_space<vmem>>, vector<16xf32>,
      }
      %scan3A_47 = arith.constant 125 : i32
      "tpu.region"() ({
        %run_scoped3A = tpu.sem_alloc : memref<!tpu.dma_semaphore, #tpu.memory_space<semaphore_mem>>
        %dma_start3A_48 = arith.constant 0 : i32
        %dma_start3A_49 = tpu.memref_slice %arg9[%scan3A_26, %dma_start3A_48] : memref<5x500xi32, #tpu.memory_space<vmem>> -> memref<1x500xi32, #tpu.memory_space<vmem>>
        %dma_start3A_50 = tpu.memref_squeeze %dma_start3A_49 : memref<1x500xi32, #tpu.memory_space<vmem>> -> memref<500xi32, #tpu.memory_space<vmem>>
        %dma_start3A_51 = arith.constant 0 : i32
        %dma_start3A_52 = arith.constant 0 : i32
        %dma_start3A_53 = tpu.memref_slice %arg13[%dma_start3A_51, %dma_start3A_52] : memref<10000x32xf32, #tpu.memory_space<vmem_shared>> -> memref<10000x32xf32, #tpu.memory_space<vmem_shared>>
        tpu.enqueue_indirect_dma source(%arg12 : memref<500x32xf32, #tpu.memory_space<vmem>>) target(%dma_start3A_53 : memref<10000x32xf32, #tpu.memory_space<vmem_shared>>) offsets(%dma_start3A_50 : memref<500xi32, #tpu.memory_space<vmem>>) semaphore(%run_scoped3A : memref<!tpu.dma_semaphore, #tpu.memory_space<semaphore_mem>>) {add = true}
        %dma_wait3A_54 = arith.constant 0 : i32
        %dma_wait3A_55 = tpu.memref_slice %arg9[%scan3A_26, %dma_wait3A_54] : memref<5x500xi32, #tpu.memory_space<vmem>> -> memref<1x500xi32, #tpu.memory_space<vmem>>
        %dma_wait3A_56 = tpu.memref_squeeze %dma_wait3A_55 : memref<1x500xi32, #tpu.memory_space<vmem>> -> memref<500xi32, #tpu.memory_space<vmem>>
        %dma_wait3A_57 = arith.constant 0 : i32
        %dma_wait3A_58 = arith.constant 0 : i32
        %dma_wait3A_59 = tpu.memref_slice %arg13[%dma_wait3A_57, %dma_wait3A_58] : memref<10000x32xf32, #tpu.memory_space<vmem_shared>> -> memref<10000x32xf32, #tpu.memory_space<vmem_shared>>
        tpu.wait_indirect_dma semaphore(%run_scoped3A : memref<!tpu.dma_semaphore, #tpu.memory_space<semaphore_mem>>) src(%arg12 : memref<500x32xf32, #tpu.memory_space<vmem>>) dst(%dma_wait3A_59 : memref<10000x32xf32, #tpu.memory_space<vmem_shared>>)
        tpu.yield
      }) : () -> ()
    }
    %scan3A_20 = arith.constant 5 : i32
    %barrier3A_21 = arith.constant 0 : index
    tpu.barrier barrier_id(%barrier3A_21)
    %mul3A_22 = arith.constant 625 : i32
    %mul3A_23 = arith.muli %arg1, %mul3A_22 : i32
    %mul3A_24 = arith.constant 625 : i32
    %mul3A_25 = arith.muli %arg1, %mul3A_24 : i32
    "tpu.region"() ({
      %run_scoped3A = tpu.sem_alloc : memref<!tpu.dma_semaphore, #tpu.memory_space<semaphore_mem>>
      %dma_start3A = arith.constant 0 : i32
      %dma_start3A_26 = tpu.memref_slice %arg7[%arg0, %mul3A_25, %dma_start3A] : memref<2x10000x32xf32, #tpu.memory_space<hbm>> -> memref<1x625x32xf32, #tpu.memory_space<hbm>>
      %dma_start3A_27 = tpu.memref_squeeze %dma_start3A_26 : memref<1x625x32xf32, #tpu.memory_space<hbm>> -> memref<625x32xf32, #tpu.memory_space<hbm>>
      %dma_start3A_28 = arith.constant 0 : i32
      %dma_start3A_29 = tpu.memref_slice %arg13[%mul3A_23, %dma_start3A_28] : memref<10000x32xf32, #tpu.memory_space<vmem_shared>> -> memref<625x32xf32, #tpu.memory_space<vmem_shared>>
      tpu.enqueue_dma source(%dma_start3A_29 : memref<625x32xf32, #tpu.memory_space<vmem_shared>>) target(%dma_start3A_27 : memref<625x32xf32, #tpu.memory_space<hbm>>) target_semaphore(%run_scoped3A : memref<!tpu.dma_semaphore, #tpu.memory_space<semaphore_mem>>)
      %dma_wait3A = arith.constant 0 : i32
      %dma_wait3A_30 = tpu.memref_slice %arg7[%arg0, %mul3A_25, %dma_wait3A] : memref<2x10000x32xf32, #tpu.memory_space<hbm>> -> memref<1x625x32xf32, #tpu.memory_space<hbm>>
      %dma_wait3A_31 = tpu.memref_squeeze %dma_wait3A_30 : memref<1x625x32xf32, #tpu.memory_space<hbm>> -> memref<625x32xf32, #tpu.memory_space<hbm>>
      %dma_wait3A_32 = arith.constant 0 : i32
      %dma_wait3A_33 = tpu.memref_slice %arg13[%mul3A_23, %dma_wait3A_32] : memref<10000x32xf32, #tpu.memory_space<vmem_shared>> -> memref<625x32xf32, #tpu.memory_space<vmem_shared>>
      tpu.wait_dma2 semaphore(%run_scoped3A : memref<!tpu.dma_semaphore, #tpu.memory_space<semaphore_mem>>) src(%dma_wait3A_33 : memref<625x32xf32, #tpu.memory_space<vmem_shared>>) dst(%dma_wait3A_31 : memref<625x32xf32, #tpu.memory_space<hbm>>)
      tpu.yield
    }) : () -> ()
    return
  }
}

module attributes {stable_mosaic.version = 14 : i64} {
  func.func @_tc_main_body(%arg0: i32, %arg1: memref<4x3200xf32, #tpu.memory_space<vmem>>, %arg2: memref<64x3200xf32, #tpu.memory_space<vmem>>, %arg3: memref<64x64xbf16, #tpu.memory_space<vmem>>, %arg4: memref<1x64xf32, #tpu.memory_space<vmem>>, %arg5: memref<64x512xbf16, #tpu.memory_space<vmem>>, %arg6: memref<1x512xf32, #tpu.memory_space<vmem>>, %arg7: memref<4x512xf32, #tpu.memory_space<vmem>>, %arg8: memref<3200x128xf32, #tpu.memory_space<vmem>>) attributes {dimension_semantics = [#tpu.dimension_semantics<arbitrary>], iteration_bounds = array<i64: 25>, scalar_prefetch = 0 : i64, scratch_operands = 0 : i64, tpu.core_type = #tpu.core_type<tc>, window_params = [{transform_indices = @transform_0, window_bounds = array<i64: 4, 3200>}, {transform_indices = @transform_1, window_bounds = array<i64: 64, 3200>}, {pipeline_mode = #tpu.pipeline_mode<synchronous>, transform_indices = @transform_2, window_bounds = array<i64: 64, 64>}, {pipeline_mode = #tpu.pipeline_mode<synchronous>, transform_indices = @transform_3, window_bounds = array<i64: 1, 64>}, {pipeline_mode = #tpu.pipeline_mode<synchronous>, transform_indices = @transform_4, window_bounds = array<i64: 64, 512>}, {pipeline_mode = #tpu.pipeline_mode<synchronous>, transform_indices = @transform_5, window_bounds = array<i64: 1, 512>}, {pipeline_mode = #tpu.pipeline_mode<synchronous>, transform_indices = @transform_6, window_bounds = array<i64: 4, 512>}, {transform_indices = @transform_7, window_bounds = array<i64: 3200, 128>}]} {
    %get3A = arith.constant 0 : index
    %get3A_0 = arith.constant 0 : index
    %get3A_1 = vector.load %arg2[%get3A, %get3A_0] : memref<64x3200xf32, #tpu.memory_space<vmem>>, vector<64x3200xf32>
    %convert_element_type3A = arith.truncf %get3A_1 : vector<64x3200xf32> to vector<64x3200xbf16>
    %get3A_2 = arith.constant 0 : index
    %get3A_3 = arith.constant 0 : index
    %get3A_4 = vector.load %arg3[%get3A_2, %get3A_3] : memref<64x64xbf16, #tpu.memory_space<vmem>>, vector<64x64xbf16>
    %dot_general3A = arith.constant dense<0.000000e+00> : vector<3200x64xf32>
    %dot_general3A_5 = tpu.matmul %convert_element_type3A, %get3A_4, %dot_general3A {dimension_numbers = #tpu.dot_dimension_numbers<[0], [0], [1], [1], [0, 1, 1, 1], [], []>, transpose_lhs_hint = false} : vector<64x3200xbf16>, vector<64x64xbf16>, vector<3200x64xf32> -> vector<3200x64xf32>
    %get3A_6 = arith.constant 0 : index
    %get3A_7 = arith.constant 0 : index
    %get3A_8 = vector.load %arg4[%get3A_6, %get3A_7] : memref<1x64xf32, #tpu.memory_space<vmem>>, vector<1x64xf32>
    %add3A = vector.broadcast %get3A_8 : vector<1x64xf32> to vector<3200x64xf32>
    %add3A_9 = arith.addf %dot_general3A_5, %add3A : vector<3200x64xf32>
    %max3A = arith.constant 0.000000e+00 : f32
    %max3A_10 = vector.broadcast %max3A : f32 to vector<3200x64xf32>
    %max3A_11 = arith.maximumf %add3A_9, %max3A_10 : vector<3200x64xf32>
    %convert_element_type3A_12 = arith.truncf %max3A_11 : vector<3200x64xf32> to vector<3200x64xbf16>
    %get3A_13 = arith.constant 0 : index
    %get3A_14 = arith.constant 0 : index
    %get3A_15 = vector.load %arg5[%get3A_13, %get3A_14] : memref<64x512xbf16, #tpu.memory_space<vmem>>, vector<64x512xbf16>
    %dot_general3A_16 = arith.constant dense<0.000000e+00> : vector<3200x512xf32>
    %dot_general3A_17 = tpu.matmul %convert_element_type3A_12, %get3A_15, %dot_general3A_16 {dimension_numbers = #tpu.dot_dimension_numbers<[1], [0], [0], [1], [0, 0, 1, 1], [], []>, transpose_lhs_hint = false} : vector<3200x64xbf16>, vector<64x512xbf16>, vector<3200x512xf32> -> vector<3200x512xf32>
    %get3A_18 = arith.constant 0 : index
    %get3A_19 = arith.constant 0 : index
    %get3A_20 = vector.load %arg6[%get3A_18, %get3A_19] : memref<1x512xf32, #tpu.memory_space<vmem>>, vector<1x512xf32>
    %add3A_21 = vector.broadcast %get3A_20 : vector<1x512xf32> to vector<3200x512xf32>
    %add3A_22 = arith.addf %dot_general3A_17, %add3A_21 : vector<3200x512xf32>
    %get3A_23 = arith.constant 0 : index
    %get3A_24 = arith.constant 0 : index
    %get3A_25 = vector.load %arg1[%get3A_23, %get3A_24] : memref<4x3200xf32, #tpu.memory_space<vmem>>, vector<4x3200xf32>
    %get3A_26 = arith.constant 0 : index
    %get3A_27 = arith.constant 0 : index
    %get3A_28 = vector.load %arg7[%get3A_26, %get3A_27] : memref<4x512xf32, #tpu.memory_space<vmem>>, vector<4x512xf32>
    %dot_general3A_29 = arith.constant dense<0.000000e+00> : vector<3200x512xf32>
    %dot_general3A_30 = tpu.matmul %get3A_25, %get3A_28, %dot_general3A_29 {dimension_numbers = #tpu.dot_dimension_numbers<[0], [0], [1], [1], [0, 1, 1, 1], [], []>, transpose_lhs_hint = false} : vector<4x3200xf32>, vector<4x512xf32>, vector<3200x512xf32> -> vector<3200x512xf32>
    %mul3A = arith.mulf %dot_general3A_30, %add3A_22 : vector<3200x512xf32>
    %slice3A = vector.extract_strided_slice %mul3A {offsets = [0, 0], sizes = [3200, 256], strides = [1, 1]} : vector<3200x512xf32> to vector<3200x256xf32>
    %slice3A_31 = vector.extract_strided_slice %mul3A {offsets = [0, 256], sizes = [3200, 256], strides = [1, 1]} : vector<3200x512xf32> to vector<3200x256xf32>
    %add3A_32 = arith.addf %slice3A, %slice3A_31 : vector<3200x256xf32>
    %slice3A_33 = vector.extract_strided_slice %add3A_32 {offsets = [0, 0], sizes = [3200, 128], strides = [1, 1]} : vector<3200x256xf32> to vector<3200x128xf32>
    %slice3A_34 = vector.extract_strided_slice %add3A_32 {offsets = [0, 128], sizes = [3200, 128], strides = [1, 1]} : vector<3200x256xf32> to vector<3200x128xf32>
    %add3A_35 = arith.addf %slice3A_33, %slice3A_34 : vector<3200x128xf32>
    %mul3A_36 = arith.constant 0.176776692 : f32
    %mul3A_37 = vector.broadcast %mul3A_36 : f32 to vector<3200x128xf32>
    %mul3A_38 = arith.mulf %add3A_35, %mul3A_37 : vector<3200x128xf32>
    %swap3A = arith.constant 0 : index
    %swap3A_39 = arith.constant 0 : index
    %swap3A_40 = vector.load %arg8[%swap3A, %swap3A_39] : memref<3200x128xf32, #tpu.memory_space<vmem>>, vector<3200x128xf32>
    tpu.vector_store %arg8[%swap3A, %swap3A_39], %mul3A_38 {strides = array<i32>} : memref<3200x128xf32, #tpu.memory_space<vmem>>, vector<3200x128xf32>,
    return
  }
  func.func @transform_0(%arg0: i32) -> (i32, i32) {
    %add3A = arith.constant 25 : i32
    %add3A_0 = arith.addi %arg0, %add3A : i32
    %c0_i32 = arith.constant 0 : i32
    %c0_i32_1 = arith.constant 0 : i32
    return %c0_i32, %add3A_0 : i32, i32
  }
  func.func @transform_1(%arg0: i32) -> (i32, i32) {
    %add3A = arith.constant 25 : i32
    %add3A_0 = arith.addi %arg0, %add3A : i32
    %c0_i32 = arith.constant 0 : i32
    %c0_i32_1 = arith.constant 0 : i32
    return %c0_i32, %add3A_0 : i32, i32
  }
  func.func @transform_2(%arg0: i32) -> (i32, i32) {
    %c0_i32 = arith.constant 0 : i32
    %c0_i32_0 = arith.constant 0 : i32
    %c0_i32_1 = arith.constant 0 : i32
    return %c0_i32, %c0_i32_0 : i32, i32
  }
  func.func @transform_3(%arg0: i32) -> (i32, i32) {
    %c0_i32 = arith.constant 0 : i32
    %c0_i32_0 = arith.constant 0 : i32
    %c0_i32_1 = arith.constant 0 : i32
    return %c0_i32, %c0_i32_0 : i32, i32
  }
  func.func @transform_4(%arg0: i32) -> (i32, i32) {
    %c0_i32 = arith.constant 0 : i32
    %c0_i32_0 = arith.constant 0 : i32
    %c0_i32_1 = arith.constant 0 : i32
    return %c0_i32, %c0_i32_0 : i32, i32
  }
  func.func @transform_5(%arg0: i32) -> (i32, i32) {
    %c0_i32 = arith.constant 0 : i32
    %c0_i32_0 = arith.constant 0 : i32
    %c0_i32_1 = arith.constant 0 : i32
    return %c0_i32, %c0_i32_0 : i32, i32
  }
  func.func @transform_6(%arg0: i32) -> (i32, i32) {
    %c0_i32 = arith.constant 0 : i32
    %c0_i32_0 = arith.constant 0 : i32
    %c0_i32_1 = arith.constant 0 : i32
    return %c0_i32, %c0_i32_0 : i32, i32
  }
  func.func @transform_7(%arg0: i32) -> (i32, i32) {
    %c0_i32 = arith.constant 0 : i32
    %c0_i32_0 = arith.constant 0 : i32
    return %arg0, %c0_i32 : i32, i32
  }
}

module attributes {stable_mosaic.version = 14 : i64} {
  func.func @_tc_main_body(%arg0: i32, %arg1: memref<4x3200xf32, #tpu.memory_space<vmem>>, %arg2: memref<64x3200xf32, #tpu.memory_space<vmem>>, %arg3: memref<64x64xbf16, #tpu.memory_space<vmem>>, %arg4: memref<1x64xf32, #tpu.memory_space<vmem>>, %arg5: memref<64x512xbf16, #tpu.memory_space<vmem>>, %arg6: memref<1x512xf32, #tpu.memory_space<vmem>>, %arg7: memref<4x512xf32, #tpu.memory_space<vmem>>, %arg8: memref<3200x128xf32, #tpu.memory_space<vmem>>) attributes {dimension_semantics = [#tpu.dimension_semantics<arbitrary>], iteration_bounds = array<i64: 25>, scalar_prefetch = 0 : i64, scratch_operands = 0 : i64, tpu.core_type = #tpu.core_type<tc>, window_params = [{transform_indices = @transform_0, window_bounds = array<i64: 4, 3200>}, {transform_indices = @transform_1, window_bounds = array<i64: 64, 3200>}, {pipeline_mode = #tpu.pipeline_mode<synchronous>, transform_indices = @transform_2, window_bounds = array<i64: 64, 64>}, {pipeline_mode = #tpu.pipeline_mode<synchronous>, transform_indices = @transform_3, window_bounds = array<i64: 1, 64>}, {pipeline_mode = #tpu.pipeline_mode<synchronous>, transform_indices = @transform_4, window_bounds = array<i64: 64, 512>}, {pipeline_mode = #tpu.pipeline_mode<synchronous>, transform_indices = @transform_5, window_bounds = array<i64: 1, 512>}, {pipeline_mode = #tpu.pipeline_mode<synchronous>, transform_indices = @transform_6, window_bounds = array<i64: 4, 512>}, {transform_indices = @transform_7, window_bounds = array<i64: 3200, 128>}]} {
    %get3A = arith.constant 0 : index
    %get3A_0 = arith.constant 0 : index
    %get3A_1 = vector.load %arg2[%get3A, %get3A_0] : memref<64x3200xf32, #tpu.memory_space<vmem>>, vector<64x3200xf32>
    %convert_element_type3A = arith.truncf %get3A_1 : vector<64x3200xf32> to vector<64x3200xbf16>
    %get3A_2 = arith.constant 0 : index
    %get3A_3 = arith.constant 0 : index
    %get3A_4 = vector.load %arg3[%get3A_2, %get3A_3] : memref<64x64xbf16, #tpu.memory_space<vmem>>, vector<64x64xbf16>
    %dot_general3A = arith.constant dense<0.000000e+00> : vector<3200x64xf32>
    %dot_general3A_5 = tpu.matmul %convert_element_type3A, %get3A_4, %dot_general3A {dimension_numbers = #tpu.dot_dimension_numbers<[0], [0], [1], [1], [0, 1, 1, 1], [], []>, transpose_lhs_hint = false} : vector<64x3200xbf16>, vector<64x64xbf16>, vector<3200x64xf32> -> vector<3200x64xf32>
    %get3A_6 = arith.constant 0 : index
    %get3A_7 = arith.constant 0 : index
    %get3A_8 = vector.load %arg4[%get3A_6, %get3A_7] : memref<1x64xf32, #tpu.memory_space<vmem>>, vector<1x64xf32>
    %add3A = vector.broadcast %get3A_8 : vector<1x64xf32> to vector<3200x64xf32>
    %add3A_9 = arith.addf %dot_general3A_5, %add3A : vector<3200x64xf32>
    %max3A = arith.constant 0.000000e+00 : f32
    %max3A_10 = vector.broadcast %max3A : f32 to vector<3200x64xf32>
    %max3A_11 = arith.maximumf %add3A_9, %max3A_10 : vector<3200x64xf32>
    %convert_element_type3A_12 = arith.truncf %max3A_11 : vector<3200x64xf32> to vector<3200x64xbf16>
    %get3A_13 = arith.constant 0 : index
    %get3A_14 = arith.constant 0 : index
    %get3A_15 = vector.load %arg5[%get3A_13, %get3A_14] : memref<64x512xbf16, #tpu.memory_space<vmem>>, vector<64x512xbf16>
    %dot_general3A_16 = arith.constant dense<0.000000e+00> : vector<3200x512xf32>
    %dot_general3A_17 = tpu.matmul %convert_element_type3A_12, %get3A_15, %dot_general3A_16 {dimension_numbers = #tpu.dot_dimension_numbers<[1], [0], [0], [1], [0, 0, 1, 1], [], []>, transpose_lhs_hint = false} : vector<3200x64xbf16>, vector<64x512xbf16>, vector<3200x512xf32> -> vector<3200x512xf32>
    %get3A_18 = arith.constant 0 : index
    %get3A_19 = arith.constant 0 : index
    %get3A_20 = vector.load %arg6[%get3A_18, %get3A_19] : memref<1x512xf32, #tpu.memory_space<vmem>>, vector<1x512xf32>
    %add3A_21 = vector.broadcast %get3A_20 : vector<1x512xf32> to vector<3200x512xf32>
    %add3A_22 = arith.addf %dot_general3A_17, %add3A_21 : vector<3200x512xf32>
    %get3A_23 = arith.constant 0 : index
    %get3A_24 = arith.constant 0 : index
    %get3A_25 = vector.load %arg1[%get3A_23, %get3A_24] : memref<4x3200xf32, #tpu.memory_space<vmem>>, vector<4x3200xf32>
    %get3A_26 = arith.constant 0 : index
    %get3A_27 = arith.constant 0 : index
    %get3A_28 = vector.load %arg7[%get3A_26, %get3A_27] : memref<4x512xf32, #tpu.memory_space<vmem>>, vector<4x512xf32>
    %dot_general3A_29 = arith.constant dense<0.000000e+00> : vector<3200x512xf32>
    %dot_general3A_30 = tpu.matmul %get3A_25, %get3A_28, %dot_general3A_29 {dimension_numbers = #tpu.dot_dimension_numbers<[0], [0], [1], [1], [0, 1, 1, 1], [], []>, transpose_lhs_hint = false} : vector<4x3200xf32>, vector<4x512xf32>, vector<3200x512xf32> -> vector<3200x512xf32>
    %mul3A = arith.mulf %dot_general3A_30, %add3A_22 : vector<3200x512xf32>
    %slice3A = vector.extract_strided_slice %mul3A {offsets = [0, 0], sizes = [3200, 256], strides = [1, 1]} : vector<3200x512xf32> to vector<3200x256xf32>
    %slice3A_31 = vector.extract_strided_slice %mul3A {offsets = [0, 256], sizes = [3200, 256], strides = [1, 1]} : vector<3200x512xf32> to vector<3200x256xf32>
    %add3A_32 = arith.addf %slice3A, %slice3A_31 : vector<3200x256xf32>
    %slice3A_33 = vector.extract_strided_slice %add3A_32 {offsets = [0, 0], sizes = [3200, 128], strides = [1, 1]} : vector<3200x256xf32> to vector<3200x128xf32>
    %slice3A_34 = vector.extract_strided_slice %add3A_32 {offsets = [0, 128], sizes = [3200, 128], strides = [1, 1]} : vector<3200x256xf32> to vector<3200x128xf32>
    %add3A_35 = arith.addf %slice3A_33, %slice3A_34 : vector<3200x128xf32>
    %mul3A_36 = arith.constant 0.176776692 : f32
    %mul3A_37 = vector.broadcast %mul3A_36 : f32 to vector<3200x128xf32>
    %mul3A_38 = arith.mulf %add3A_35, %mul3A_37 : vector<3200x128xf32>
    %swap3A = arith.constant 0 : index
    %swap3A_39 = arith.constant 0 : index
    %swap3A_40 = vector.load %arg8[%swap3A, %swap3A_39] : memref<3200x128xf32, #tpu.memory_space<vmem>>, vector<3200x128xf32>
    tpu.vector_store %arg8[%swap3A, %swap3A_39], %mul3A_38 {strides = array<i32>} : memref<3200x128xf32, #tpu.memory_space<vmem>>, vector<3200x128xf32>,
    return
  }
  func.func @transform_0(%arg0: i32) -> (i32, i32) {
    %add3A = arith.constant 0 : i32
    %add3A_0 = arith.addi %arg0, %add3A : i32
    %c0_i32 = arith.constant 0 : i32
    %c0_i32_1 = arith.constant 0 : i32
    return %c0_i32, %add3A_0 : i32, i32
  }
  func.func @transform_1(%arg0: i32) -> (i32, i32) {
    %add3A = arith.constant 0 : i32
    %add3A_0 = arith.addi %arg0, %add3A : i32
    %c0_i32 = arith.constant 0 : i32
    %c0_i32_1 = arith.constant 0 : i32
    return %c0_i32, %add3A_0 : i32, i32
  }
  func.func @transform_2(%arg0: i32) -> (i32, i32) {
    %c0_i32 = arith.constant 0 : i32
    %c0_i32_0 = arith.constant 0 : i32
    %c0_i32_1 = arith.constant 0 : i32
    return %c0_i32, %c0_i32_0 : i32, i32
  }
  func.func @transform_3(%arg0: i32) -> (i32, i32) {
    %c0_i32 = arith.constant 0 : i32
    %c0_i32_0 = arith.constant 0 : i32
    %c0_i32_1 = arith.constant 0 : i32
    return %c0_i32, %c0_i32_0 : i32, i32
  }
  func.func @transform_4(%arg0: i32) -> (i32, i32) {
    %c0_i32 = arith.constant 0 : i32
    %c0_i32_0 = arith.constant 0 : i32
    %c0_i32_1 = arith.constant 0 : i32
    return %c0_i32, %c0_i32_0 : i32, i32
  }
  func.func @transform_5(%arg0: i32) -> (i32, i32) {
    %c0_i32 = arith.constant 0 : i32
    %c0_i32_0 = arith.constant 0 : i32
    %c0_i32_1 = arith.constant 0 : i32
    return %c0_i32, %c0_i32_0 : i32, i32
  }
  func.func @transform_6(%arg0: i32) -> (i32, i32) {
    %c0_i32 = arith.constant 0 : i32
    %c0_i32_0 = arith.constant 0 : i32
    %c0_i32_1 = arith.constant 0 : i32
    return %c0_i32, %c0_i32_0 : i32, i32
  }
  func.func @transform_7(%arg0: i32) -> (i32, i32) {
    %c0_i32 = arith.constant 0 : i32
    %c0_i32_0 = arith.constant 0 : i32
    return %arg0, %c0_i32 : i32, i32
  }
}

module attributes {stable_mosaic.version = 14 : i64} {
  func.func @_tc_norm_body(%arg0: memref<2x10000x32xf32, #tpu.memory_space<vmem>>, %arg1: memref<2x10000x32xf32, #tpu.memory_space<vmem>>, %arg2: memref<10000x16xf32, #tpu.memory_space<vmem>>, %arg3: memref<1x16xf32, #tpu.memory_space<vmem>>, %arg4: memref<1x16xf32, #tpu.memory_space<vmem>>, %arg5: memref<10000x16xf32, #tpu.memory_space<vmem>>) attributes {dimension_semantics = [], scalar_prefetch = 0 : i64, scratch_operands = 0 : i64, tpu.core_type = #tpu.core_type<tc>} {
    %get3A = arith.constant 0 : index
    %get3A_0 = arith.constant 0 : index
    %get3A_1 = arith.constant 0 : index
    %get3A_2 = vector.load %arg0[%get3A, %get3A_0, %get3A_1] : memref<2x10000x32xf32, #tpu.memory_space<vmem>>, vector<1x10000x32xf32>
    %get3A_3 = vector.shape_cast %get3A_2 : vector<1x10000x32xf32> to vector<10000x32xf32>
    %get3A_4 = arith.constant 1 : index
    %get3A_5 = arith.constant 0 : index
    %get3A_6 = arith.constant 0 : index
    %get3A_7 = vector.load %arg0[%get3A_4, %get3A_5, %get3A_6] : memref<2x10000x32xf32, #tpu.memory_space<vmem>>, vector<1x10000x32xf32>
    %get3A_8 = vector.shape_cast %get3A_7 : vector<1x10000x32xf32> to vector<10000x32xf32>
    %add3A = arith.addf %get3A_3, %get3A_8 : vector<10000x32xf32>
    %get3A_9 = arith.constant 0 : index
    %get3A_10 = arith.constant 0 : index
    %get3A_11 = arith.constant 0 : index
    %get3A_12 = vector.load %arg1[%get3A_9, %get3A_10, %get3A_11] : memref<2x10000x32xf32, #tpu.memory_space<vmem>>, vector<1x10000x32xf32>
    %get3A_13 = vector.shape_cast %get3A_12 : vector<1x10000x32xf32> to vector<10000x32xf32>
    %get3A_14 = arith.constant 1 : index
    %get3A_15 = arith.constant 0 : index
    %get3A_16 = arith.constant 0 : index
    %get3A_17 = vector.load %arg1[%get3A_14, %get3A_15, %get3A_16] : memref<2x10000x32xf32, #tpu.memory_space<vmem>>, vector<1x10000x32xf32>
    %get3A_18 = vector.shape_cast %get3A_17 : vector<1x10000x32xf32> to vector<10000x32xf32>
    %add3A_19 = arith.addf %get3A_13, %get3A_18 : vector<10000x32xf32>
    %add3A_20 = arith.addf %add3A, %add3A_19 : vector<10000x32xf32>
    %slice3A = vector.extract_strided_slice %add3A_20 {offsets = [0, 0], sizes = [10000, 16], strides = [1, 1]} : vector<10000x32xf32> to vector<10000x16xf32>
    %slice3A_21 = vector.extract_strided_slice %add3A_20 {offsets = [0, 16], sizes = [10000, 1], strides = [1, 1]} : vector<10000x32xf32> to vector<10000x1xf32>
    %max3A = arith.constant 1.000000e+00 : f32
    %max3A_22 = vector.broadcast %max3A : f32 to vector<10000x1xf32>
    %max3A_23 = arith.maximumf %slice3A_21, %max3A_22 : vector<10000x1xf32>
    %div3A = vector.broadcast %max3A_23 : vector<10000x1xf32> to vector<10000x16xf32>
    %div3A_24 = arith.divf %slice3A, %div3A : vector<10000x16xf32>
    %get3A_25 = arith.constant 0 : index
    %get3A_26 = arith.constant 0 : index
    %get3A_27 = vector.load %arg2[%get3A_25, %get3A_26] : memref<10000x16xf32, #tpu.memory_space<vmem>>, vector<10000x16xf32>
    %add3A_28 = arith.addf %div3A_24, %get3A_27 : vector<10000x16xf32>
    %reduce_sum3A = arith.constant dense<0.000000e+00> : vector<16xf32>
    %reduce_sum3A_29 = vector.multi_reduction <add>, %add3A_28, %reduce_sum3A [0] : vector<10000x16xf32> to vector<16xf32>
    %broadcast_in_dim3A = vector.shape_cast %reduce_sum3A_29 : vector<16xf32> to vector<1x16xf32>
    %div3A_30 = arith.constant 1.000000e+04 : f32
    %div3A_31 = vector.broadcast %div3A_30 : f32 to vector<1x16xf32>
    %div3A_32 = arith.divf %broadcast_in_dim3A, %div3A_31 : vector<1x16xf32>
    %sub3A = vector.broadcast %div3A_32 : vector<1x16xf32> to vector<10000x16xf32>
    %sub3A_33 = arith.subf %add3A_28, %sub3A : vector<10000x16xf32>
    %integer_pow3A = arith.mulf %sub3A_33, %sub3A_33 : vector<10000x16xf32>
    %reduce_sum3A_34 = arith.constant dense<0.000000e+00> : vector<16xf32>
    %reduce_sum3A_35 = vector.multi_reduction <add>, %integer_pow3A, %reduce_sum3A_34 [0] : vector<10000x16xf32> to vector<16xf32>
    %broadcast_in_dim3A_36 = vector.shape_cast %reduce_sum3A_35 : vector<16xf32> to vector<1x16xf32>
    %div3A_37 = arith.constant 1.000000e+04 : f32
    %div3A_38 = vector.broadcast %div3A_37 : f32 to vector<1x16xf32>
    %div3A_39 = arith.divf %broadcast_in_dim3A_36, %div3A_38 : vector<1x16xf32>
    %sub3A_40 = vector.broadcast %div3A_32 : vector<1x16xf32> to vector<10000x16xf32>
    %sub3A_41 = arith.subf %add3A_28, %sub3A_40 : vector<10000x16xf32>
    %add3A_42 = arith.constant 9.99999974E-6 : f32
    %add3A_43 = vector.broadcast %add3A_42 : f32 to vector<1x16xf32>
    %add3A_44 = arith.addf %div3A_39, %add3A_43 : vector<1x16xf32>
    %rsqrt3A = math.rsqrt %add3A_44 : vector<1x16xf32>
    %mul3A = vector.broadcast %rsqrt3A : vector<1x16xf32> to vector<10000x16xf32>
    %mul3A_45 = arith.mulf %sub3A_41, %mul3A : vector<10000x16xf32>
    %get3A_46 = arith.constant 0 : index
    %get3A_47 = arith.constant 0 : index
    %get3A_48 = vector.load %arg3[%get3A_46, %get3A_47] : memref<1x16xf32, #tpu.memory_space<vmem>>, vector<1x16xf32>
    %mul3A_49 = vector.broadcast %get3A_48 : vector<1x16xf32> to vector<10000x16xf32>
    %mul3A_50 = arith.mulf %mul3A_45, %mul3A_49 : vector<10000x16xf32>
    %get3A_51 = arith.constant 0 : index
    %get3A_52 = arith.constant 0 : index
    %get3A_53 = vector.load %arg4[%get3A_51, %get3A_52] : memref<1x16xf32, #tpu.memory_space<vmem>>, vector<1x16xf32>
    %add3A_54 = vector.broadcast %get3A_53 : vector<1x16xf32> to vector<10000x16xf32>
    %add3A_55 = arith.addf %mul3A_50, %add3A_54 : vector<10000x16xf32>
    %swap3A = arith.constant 0 : index
    %swap3A_56 = arith.constant 0 : index
    %swap3A_57 = vector.load %arg5[%swap3A, %swap3A_56] : memref<10000x16xf32, #tpu.memory_space<vmem>>, vector<10000x16xf32>
    tpu.vector_store %arg5[%swap3A, %swap3A_56], %add3A_55 {strides = array<i32>} : memref<10000x16xf32, #tpu.memory_space<vmem>>, vector<10000x16xf32>,
    return
  }
}

</mosaic_0001>

<sc_bundles>
// kernel: kernel.10.cloned.1.call-start
scs
__scs_entry_jumppad:
0x0: {  	(pc) =	sbr.rel $0x88, $3  }
0x1: {  	(tag) =	ssettag $0x0;
	lr =	simm.s32 $0x1  }
0x2: {  	[smem:$0x3F97] =	sst lr;
	_ =	strace $0xD0000000  }
0x3: {  	_ = 	snop  }
0x4: {  	_ = 	snop  }
0x5: {  	_ = 	snop  }
0x6: {  	_ = 	snop  }
0x7: {  	_ = 	snop  }
__scs_overlays_trampoline_lowered:
0x8: {  	[smem:$0x3FA6] =	sst s0  }
0x9: {  	[smem:$0x3FA7] =	sst s1  }
0xa: {  	[smem:$0x3FA8] =	sst s2  }
0xb: {  	[smem:$0x3FA9] =	sst s3  }
0xc: {  	[smem:$0x3FAA] =	sst s4  }
0xd: {  	[smem:$0x3FAB] =	sst s5  }
0xe: {  	[smem:$0x3FAC] =	sst s6  }
0xf: {  	[smem:$0x3FAD] =	sst s7  }
0x10: {  	[smem:$0x3FAE] =	sst s8  }
0x11: {  	[smem:$0x3FAF] =	sst s9;
	s0 =	simm.s32 @!p0 $0x0  }
0x12: {  	s1 =	sld [smem:$0x3F95];
	s0 =	simm.s32 @p0 $0x1  }
0x13: {  	[smem:$0x3FB0] =	sst s0;
	s0 =	simm.s32 @!p1 $0x0  }
0x14: {  	s2 =	sld [smem:$0x3F94];
	s0 =	simm.s32 @p1 $0x1  }
0x15: {  	[smem:$0x3FB1] =	sst s0;
	s0 =	simm.s32 @!p2 $0x0  }
0x16: {  	s3 =	sld [smem:$0x3FDB];
	s0 =	simm.s32 @p2 $0x1  }
0x17: {  	s4 =	simm.s32 $0x1BF5;
	[smem:$0x3FB3] =	sst s0  }
0x18: {  	s0 =	sld [smem:$0x3F96];
	_ =	swait.ge [sflag:s4], $0x0  }
0x19: {  	s7 =	sld [smem:$0x3F97]  }
0x1a: {  	s8 =	sadd.s32 $0xFFFFE003, lr  }
0x1b: {  	s9 =	sadd.s32 $0xFFFFFEF7, lr;
	s5 =	simm.s32 $0xFFFFFFFF;
	p2 =	slt.u32 s8, $0xFFFFF086  }
0x1c: {  	p1 =	slt.u32 s9, $0xF7A;
	s5 =	simm.s32 @!p2 $0x0  }
0x1d: {  	s5 =	simm.s32 @p1 $0x1;
	p0 =	seq.s32 s7, s2  }
0x1e: {  	s7 =	smul.u32 @!p0 $0xF7A, s2;
	p2 =	seq.s32 @!p0 s5, $0x0  }
0x1f: {  	s9 =	smul.u32 $0xF7A, s1;
	s8 =	simm.s32 @!p0 $0x1BF5;
	p2 =	por !p2, p0  }
0x20: {  	[sflag:s8] =	ssyncset.s32 @!p0 $0xFFFFF086;
	s6 =	sadd.s32 @!p0 s3, s7;
	s7 =	simm.s32 @!p0 $0x108  }
0x21: {  	s3 =	sadd.s32 s3, s9;
	s6 =	sadd.s32 @!p0 $0x88, s6;
	s7 =	simm.s32 @p2 $0x1082  }
0x22: {  	[simem:s7], [sflag:s8] =	dma.local @!p0 [hbm:s6], $0xF7A  }
0x23: {  	s9 =	sor.u32 $0xD0000000, s2;
	s6 =	simm.s32 $0x108;
	_ =	swait.ge @!p0 [sflag:s8], $0x0  }
0x24: {  	s3 =	sadd.s32 $0x88, s3;
	s6 =	simm.s32 @!p1 $0x1082;
	[sflag:s4] =	ssyncset.s32 $0xFFFFF086  }
0x25: {  	[simem:s6], [sflag:s4] =	dma.local [hbm:s3], $0xF7A  }
0x26: {  	[smem:$0x3F97] =	sst s1;
	(tag) =	ssettag s2;
	_ =	strace s9  }
0x27: {  	s1 =	sld [smem:$0x3FA7]  }
0x28: {  	s2 =	sld [smem:$0x3FA8]  }
0x29: {  	s4 =	sld [smem:$0x3FAA]  }
0x2a: {  	p0 =	seq.s32 s5, $0x0;
	s5 =	sld [smem:$0x3FAB]  }
0x2b: {  	s6 =	sld [smem:$0x3FAC]  }
0x2c: {  	s7 =	sld [smem:$0x3FAD]  }
0x2d: {  	s3 =	simm.s32 $0x108;
	s8 =	sld [smem:$0x3FAE]  }
0x2e: {  	s3 =	simm.s32 @!p0 $0x1082;
	s9 =	sld [smem:$0x3FAF]  }
0x2f: {  	lr =	sadd.s32 s0, s3;
	s0 =	sld [smem:$0x3FA6]  }
0x30: {  	s3 =	sld [smem:$0x3FA9]  }
0x31: {  	[smem:$0x3FB2] =	sst s10  }
0x32: {  	s10 =	sld [smem:$0x3FB0];
	_ =	sdelay $0x3  }
0x33: {  	p0 =	seq.s32 s10, $0x1;
	s10 =	sld [smem:$0x3FB2];
	_ =	sdelay $0x3  }
0x34: {  	[smem:$0x3FB2] =	sst s10  }
0x35: {  	s10 =	sld [smem:$0x3FB1];
	_ =	sdelay $0x3  }
0x36: {  	p1 =	seq.s32 s10, $0x1;
	s10 =	sld [smem:$0x3FB2];
	_ =	sdelay $0x3  }
0x37: {  	[smem:$0x3FB2] =	sst s10  }
0x38: {  	s10 =	sld [smem:$0x3FB3]  }
0x39: {  	_ = 	snop;
	(pc) =	sbr.ind lr, $3  }
0x3a: {  	_ = 	snop  }
0x3b: {  	_ = 	snop  }
0x3c: {  	p2 =	seq.s32 s10, $0x1;
	s10 =	sld [smem:$0x3FB2]  }
0x3d: {  	_ =	shalt  }
0x3e: {  	_ =	shalt  }
0x3f: {  	_ =	shalt  }
0x40: {  	_ =	shalt  }
0x41: {  	_ =	shalt  }
0x42: {  	_ =	shalt  }
0x43: {  	_ =	shalt  }
0x44: {  	_ =	shalt  }
0x45: {  	_ =	shalt  }
0x46: {  	_ =	shalt  }
0x47: {  	_ =	shalt  }
0x48: {  	_ =	shalt  }
0x49: {  	_ =	shalt  }
0x4a: {  	_ =	shalt  }
0x4b: {  	_ =	shalt  }
0x4c: {  	_ =	shalt  }
0x4d: {  	_ =	shalt  }
0x4e: {  	_ =	shalt  }
0x4f: {  	_ =	shalt  }
0x50: {  	_ =	shalt  }
0x51: {  	_ =	shalt  }
0x52: {  	_ =	shalt  }
0x53: {  	_ =	shalt  }
0x54: {  	_ =	shalt  }
0x55: {  	_ =	shalt  }
0x56: {  	_ =	shalt  }
0x57: {  	_ =	shalt  }
0x58: {  	_ =	shalt  }
0x59: {  	_ =	shalt  }
0x5a: {  	_ =	shalt  }
0x5b: {  	_ =	shalt  }
0x5c: {  	_ =	shalt  }
0x5d: {  	_ =	shalt  }
0x5e: {  	_ =	shalt  }
0x5f: {  	_ =	shalt  }
0x60: {  	_ =	shalt  }
0x61: {  	_ =	shalt  }
0x62: {  	_ =	shalt  }
0x63: {  	_ =	shalt  }
0x64: {  	_ =	shalt  }
0x65: {  	_ =	shalt  }
0x66: {  	_ =	shalt  }
0x67: {  	_ =	shalt  }
0x68: {  	_ =	shalt  }
0x69: {  	_ =	shalt  }
0x6a: {  	_ =	shalt  }
0x6b: {  	_ =	shalt  }
0x6c: {  	_ =	shalt  }
0x6d: {  	_ =	shalt  }
0x6e: {  	_ =	shalt  }
0x6f: {  	_ =	shalt  }
0x70: {  	_ =	shalt  }
0x71: {  	_ =	shalt  }
0x72: {  	_ =	shalt  }
0x73: {  	_ =	shalt  }
0x74: {  	_ =	shalt  }
0x75: {  	_ =	shalt  }
0x76: {  	_ =	shalt  }
0x77: {  	_ =	shalt  }
0x78: {  	_ =	shalt  }
0x79: {  	_ =	shalt  }
0x7a: {  	_ =	shalt  }
0x7b: {  	_ =	shalt  }
0x7c: {  	_ =	shalt  }
0x7d: {  	_ =	shalt  }
0x7e: {  	_ =	shalt  }
0x7f: {  	_ =	shalt  }
0x80: {  	_ =	shalt  }
0x81: {  	_ =	shalt  }
0x82: {  	_ =	shalt  }
0x83: {  	_ =	shalt  }
0x84: {  	_ =	shalt  }
0x85: {  	_ =	shalt  }
0x86: {  	_ =	shalt  }
0x87: {  	_ =	shalt  }
.Lfunc_end0:
.L_simem_size_0:
called_computation.1_lowered:
.L_overlay_start_0:
0x88: {  	s2 =	sld [smem:$0x3FD9]  }
0x89: {  	s3 =	sld [smem:$0x3FFE];
	_ =	sdelay $0x1  }
0x8a: {  	s1 =	srdreg.scid  }
0x8b: {  	s0 =	sand.u32 $0x1, s1  }
0x8c: {  	s17 =	sshll.u32 s0, $0xA;
	s2 =	sadd.s32 s3, s2  }
0x8d: {  	s2 =	sadd.s32 s2, s17  }
0x8e: {  	[smem:$0x3FBE] =	sst s2  }
0x8f: {  	_ = 	snop  }
0x90: {  	s2 =	sld [smem:$0x3FD0];
	(tm) =	ssettm $0x1  }
0x91: {  	s18 =	sld [smem:$0x3FFB];
	_ =	sdelay $0x3  }
0x92: {  	_ =	strace s18  }
0x93: {  	s3 =	sld [smem:$0x3FFC];
	_ =	sdelay $0x3  }
0x94: {  	_ =	strace s3  }
0x95: {  	s3 =	sld [smem:$0x3FFD];
	_ =	sdelay $0x3  }
0x96: {  	_ =	strace s3  }
0x97: {  	_ =	strace $0x8FFFFFFF  }
0x98: {  	s19 =	sld [smem:$0x3FDB];
	_ =	sdelay $0x1  }
0x99: {  	s4 =	simm.s32 $_scs_section_size  }
0x9a: {  	s5 =	simm.s32 $_size__tile_overlayer_lowered;
	s6 =	simm.s32 $_tile_overlayer_lowered  }
0x9b: {  	s22 =	simm.s32 $0x1BFF;
	s21 =	sshll.u32 s6, $0x1;
	s3 =	sadd.s32 s4, s19  }
0x9c: {  	s7 =	simm.s32 $0x0;
	s20 =	sshll.u32 s5, $0x1;
	s5 =	sadd.s32 s21, s3  }
0x9d: {  	[timem:s7], [sflag:s22] =	dma.local [hbm:s5], s20  }
0x9e: {  	_ =	swait.ge [sflag:s22], s20  }
0x9f: {  	s4 =	ssub.s32 $0x0, s20;
	[sflag:s22] =	ssyncset.done $0x0  }
0xa0: {  	[sflag:s22] =	ssyncadd.s32 s4;
	_ =	sdelay $0x1  }
0xa1: {  	s23 =	simm.s32 $0x1B8B  }
0xa2: {  	_ =	swait.ge [sflag:s23], $0x1  }
0xa3: {  	[sflag:s23] =	ssyncset.done $0x0  }
0xa4: {  	s25 =	simm.s32 $0x1B8E;
	s24 =	sld [smem:$0x3FFE];
	[sflag:s23] =	ssyncadd.s32 $0xFFFFFFFF  }
0xa5: {  	s26 =	simm.s32 $execute0_lowered;
	[smem:$0x3FD2] =	sst s25  }
0xa6: {  	s5 =	sshll.u32 s26, $0x1;
	_ =	strace $0x80000046;
	[dreg:$0x1] =	wrdreg $0xFFFFFFFF  }
0xa7: {  	s28 =	simm.s32 $_size_execute0_lowered;
	s3 =	sadd.s32 s3, s5;
	[dreg:$0x0] =	wrdreg $0x0  }
0xa8: {  	s5 =	sshll.u32 s28, $0x1;
	[dreg:$0x2] =	wrdreg s3  }
0xa9: {  	[dreg:$0x3] =	wrdreg s5  }
0xaa: {  	[dreg:$0x4] =	wrdreg $0xC0  }
0xab: {  	_ =	task [dreg:s7], $0x5FFFF  }
0xac: {  	[dreg:$0x1] =	wrdreg $0xFFFFFFFF  }
0xad: {  	[dreg:$0x0] =	wrdreg $0x60  }
0xae: {  	[dreg:$0x2] =	wrdreg s24  }
0xaf: {  	[dreg:$0x3] =	wrdreg s2  }
0xb0: {  	[dreg:$0x4] =	wrdreg $0x16B700  }
0xb1: {  	[dreg:$0x5] =	wrdreg $0xA  }
0xb2: {  	_ =	task.clear_ibuf [dreg:s7], $0x6FFFF;
	_ =	strace $0x90000046  }
0xb3: {  	s29 =	simm.s32 $0xA;
	_ =	strace $0x80000048  }
0xb4: {  	_ =	swait.ge [sflag:s29], $0x1  }
0xb5: {  	[sflag:s29] =	ssyncadd.s32 $0xFFFFFFFF  }
0xb6: {  	_ =	strace $0x90000048  }
0xb7: {  	_ =	sfence  }
0xb8: {  	s30 =	sld [smem:$0x0];
	_ =	sdelay $0x2  }
0xb9: {  	s31 =	sshll.u32 s1, $0xD;
	s1 =	sshrl.u32 s1, $0x2  }
0xba: {  	s3 =	sand.u32 $0x4000, s31;
	s1 =	sadd.s32 s1, s30  }
0xbb: {  	s0 =	sor.u32 s3, s0;
	s1 =	sshll.u32 s1, $0x11  }
0xbc: {  	s0 =	sor.u32 s1, s0  }
0xbd: {  	s0 =	sadd.s32 $0x8F2B, s0  }
0xbe: {  	[sflag:s0] =	ssyncadd.remote.s32 $0x1  }
0xbf: {  	_ =	sfence.sel $0xFFFF  }
0xc0: {  	[dreg:$0x0] =	wrdreg $0xFFFFFFFF;
	(pc) =	sbr.abs _section_cstart, $3  }
0xc1: {  	[dreg:$0x1] =	wrdreg $0xFFFFFFFF  }
0xc2: {  	_ =	task.clear_ibuf [dreg:s7], $0x2FFFF;
	_ =	strace $0x9FFFFFFF  }
0xc3: {  	(tm) =	ssettm $0x7FFFFFFF  }
tec
execute0_lowered:
.L_overlay_start_1:
0x0: {  	(tag) =	ssettag $0x1  }
0x1: {  	s1 =	srdreg.scid;
	s6 =	rddreg [dreg:$0x0]  }
0x2: {  	s0 =	stileid.u32;
	s8 =	rddreg [dreg:$0x1]  }
0x3: {  	s2 =	rddreg [dreg:$0x2];
	s3 =	simm.s32 $0x0;
	s17 =	simm.s32 $0x13B0  }
0x4: {  	s18 =	simm.s32 $0x1;
	s19 =	simm.s32 $0x32F0;
	s20 =	simm.s32 $0x12CF0  }
0x5: {  	s21 =	simm.s32 $0x0;
	s7 =	sand.u32 $0x1, s1;
	s1 =	rddreg [dreg:$0x3]  }
0x6: {  	s30 =	sshll.u32 s0, $0x1;
	s10 =	smul.u32 $0x4E20, s0;
	[smem:$0x7FF] =	sst s3  }
0x7: {  	s5 =	sadd.s32 $0x5C00, s6;
	s31 =	sshll.u32 s0, $0x6;
	s9 =	sor.u32 s7, s30  }
0x8: {  	s12 =	smul.u32 $0x4E200, s7;
	_ =	strace $0x80000047;
	s7 =	ssub.s32 $0x2, s7  }
0x9: {  	s4 =	smul.u32 $0x9D8, s9;
	s14 =	sshrl.u32 s10, $0x3;
	s15 =	sshrl.u32 s7, $0x1  }
0xa: {  	s16 =	sadd.s32 s10, s2;
	s9 =	smul.u32 $0x9C4, s9;
	s12 =	sadd.s32 s10, s12  }
0xb: {  	s14 =	sadd.s32 s14, s6;
	s15 =	ssub.s32 s7, s15;
	s4 =	sshrl.u32 s4, $0x3  }
0xc: {  	s12 =	sshrl.u32 s12, $0x3;
	s11 =	sadd.s32 $0x2760, s4;
	s4 =	sadd.s32 $0xAC00, s6  }
0xd: {  	s12 =	sadd.s32 s12, s6;
	s13 =	sadd.s32 s11, s6;
	s6 =	sadd.s32 s8, s11  }
0xe: {  	s8 =	sadd.s32 $0x143400, s14;
	s10 =	sadd.s32 $0x14D200, s12;
	s11 =	smax.u32 s15, $0x1  }
0xf: {  	s12 =	simm.s32 $0x2;
	s14 =	sor.u32 $0x1C02, s31;
	s15 =	sshrl.u32 s16, $0x3  }
0x10: {  	v0 =	vimm.f32 $1.000000000e+00;
	s16 =	simm.s32 $0x1F4;
	s7 =	sadd.s32 $0xC00, s13;
	s13 =	simm.s32 $0x9D8  }
.LBB2_1:
0x11: {  	[tilespmem:s3], [sflag:$0x2] =	stream.linear.gather [hbm4b:s6+s3], $0x9D8, $0x38;
	[tilespmem:$0x1B990] =	vst v63  }
0x12: {  	_ =	swait.ge [sflag:s12], $0x9D8  }
0x13: {  	[sflag:s12] =	ssyncset.done $0x0  }
0x14: {  	[sflag:s12] =	ssyncadd.s32 $0xFFFFF628  }
0x15: {  	[tilespmem:s13], [sflag:$0x2] =	stream.linear.gather [hbm4b:s7+s3], $0x9D8, $0x38;
	[tilespmem:$0x1B990] =	vst v63  }
0x16: {  	_ =	swait.ge [sflag:s12], $0x9D8  }
0x17: {  	[sflag:s12] =	ssyncset.done $0x0  }
0x18: {  	[sflag:s12] =	ssyncadd.s32 $0xFFFFF628  }
0x19: {  	[spmem:s15], [sflag:s14] =	dma.local [hbm:s8], $0x9C4  }
0x1a: {  	_ =	swait.ge [sflag:s12], $0x9C4  }
0x1b: {  	[sflag:s12] =	ssyncset.done $0x0  }
0x1c: {  	s22 =	simm.s32 $0xC0;
	s23 =	simm.s32 $0x10;
	[sflag:s12] =	ssyncadd.s32 $0xFFFFF63C  }
.LBB2_2:
0x1d: {  	p0 =	sne.s32 s22, $0xF9C0;
	[tilespmem:s23+$0x12CF0] =	vst v0;
	s23 =	smov.u32 s22;
	s22 =	sadd.s32 $0x80, s22  }
.Ltmp0:
0x1e: {  	(pc) =	sbr.rel @p0 .LBB2_2-.Ltmp0, $2  }
0x1f: {  	_ =	sdelay $0x2  }
0x20: {  	s23 =	sshra.s32 s23, $0x2  }
0x21: {  	[tilespmem:s23+$0x12CF0] =	vst v0  }
0x22: {  	s22 =	simm.s32 $0x0;
	[bflag:$0x0] =	sbarrier.arrive $0xFFFF  }
.LBB2_4:
0x23: {  	s23 =	smul.u32 $0x1F8, s22  }
0x24: {  	s24 =	smul.u32 $0x1F4, s22  }
0x25: {  	[tilespmem:s17], [sflag:$0x1] =	stream.indirect.gather [hbm4b:s5+s16], $0x10, s23, s16, $0xb8;
	[tilespmem:$0x1B990] =	vst v63  }
0x26: {  	s24 =	sadd.s32 s9, s24;
	_ =	swait.ge [sflag:s18], $0x1F40  }
0x27: {  	s24 =	sshll.u32 s24, $0x4;
	[sflag:s18] =	ssyncset.done $0x0  }
0x28: {  	s24 =	sadd.s32 s4, s24;
	[sflag:s18] =	ssyncadd.s32 $0xFFFFE0C0  }
0x29: {  	[tilespmem:s19], [sflag:$0x2] =	stream.linear.gather [hbm4b:s24+s3], $0xFA00, $0x38;
	[tilespmem:$0x1B990] =	vst v63  }
0x2a: {  	_ =	swait.ge [sflag:s12], $0xFA00  }
0x2b: {  	[sflag:s12] =	ssyncset.done $0x0  }
0x2c: {  	s24 =	simm.s32 $0x13D0;
	[sflag:s12] =	ssyncadd.s32 $0xFFFF0600  }
0x2d: {  	s25 =	simm.s32 $0x33F0;
	v1 =	vld [tilespmem:s24+$0xFFFFFFE0]  }
0x2e: {  	v2 =	vld [tilespmem:s25+$0xFFFFFF10]  }
0x2f: {  	v3 =	vld [tilespmem:s25+$0xFFFFFF00];
	_ =	sdelay $0x1  }
0x30: {  	v4 =	vld [tilespmem:s25+$0xFFFFFF20]  }
0x31: {  	v5 =	vbroadcast v1, $0x0;
	v6 =	vbroadcast v1, $0x1  }
0x32: {  	v8 =	vld [tilespmem:s25+$0xFFFFFF30];
	v7 =	vbroadcast v1, $0x2  }
0x33: {  	v3 =	vmul.f32 v3, v5;
	v2 =	vmul.f32 v2, v6  }
0x34: {  	v17 =	vld [tilespmem:s25+$0xFFFFFF40]  }
0x35: {  	v18 =	vbroadcast v1, $0x3;
	v2 =	vadd.f32 v2, v3;
	v3 =	vmul.f32 v4, v7  }
0x36: {  	v19 =	vld [tilespmem:s25+$0xFFFFFF50]  }
0x37: {  	v20 =	vbroadcast v1, $0x4;
	v2 =	vadd.f32 v3, v2;
	v3 =	vmul.f32 v8, v18  }
0x38: {  	v21 =	vld [tilespmem:s25+$0xFFFFFF60]  }
0x39: {  	v22 =	vbroadcast v1, $0x5;
	v2 =	vadd.f32 v3, v2;
	v3 =	vmul.f32 v17, v20  }
0x3a: {  	v23 =	vld [tilespmem:s25+$0xFFFFFF70]  }
0x3b: {  	v24 =	vbroadcast v1, $0x6;
	v2 =	vadd.f32 v3, v2;
	v3 =	vmul.f32 v19, v22;
	_ =	sdelay $0x1  }
0x3c: {  	v1 =	vbroadcast v1, $0x7;
	v2 =	vadd.f32 v3, v2;
	v3 =	vmul.f32 v21, v24;
	_ =	sdelay $0x1  }
0x3d: {  	v1 =	vmul.f32 v23, v1;
	v2 =	vadd.f32 v3, v2;
	_ =	sdelay $0x1  }
0x3e: {  	v1 =	vadd.f32 v1, v2  }
0x3f: {  	s26 =	simm.s32 $0x60  }
0x40: {  	[tilespmem:s26+$0x12C90] =	vst v1  }
0x41: {  	v1 =	vld [tilespmem:s24+$0xFFFFFFF0]  }
0x42: {  	v2 =	vld [tilespmem:s25+$0xFFFFFF90]  }
0x43: {  	v3 =	vld [tilespmem:s25+$0xFFFFFF80];
	_ =	sdelay $0x1  }
0x44: {  	v25 =	vld [tilespmem:s25+$0xFFFFFFA0]  }
0x45: {  	v26 =	vbroadcast v1, $0x0;
	v27 =	vbroadcast v1, $0x1  }
0x46: {  	v29 =	vld [tilespmem:s25+$0xFFFFFFB0];
	v28 =	vbroadcast v1, $0x2  }
0x47: {  	v3 =	vmul.f32 v3, v26;
	v2 =	vmul.f32 v2, v27  }
0x48: {  	v30 =	vld [tilespmem:s25+$0xFFFFFFC0]  }
0x49: {  	v31 =	vbroadcast v1, $0x3;
	v2 =	vadd.f32 v2, v3;
	v3 =	vmul.f32 v25, v28  }
0x4a: {  	v32 =	vld [tilespmem:s25+$0xFFFFFFD0]  }
0x4b: {  	v33 =	vbroadcast v1, $0x4;
	v2 =	vadd.f32 v3, v2;
	v3 =	vmul.f32 v29, v31  }
0x4c: {  	v34 =	vld [tilespmem:s25+$0xFFFFFFE0]  }
0x4d: {  	v35 =	vbroadcast v1, $0x5;
	v2 =	vadd.f32 v3, v2;
	v3 =	vmul.f32 v30, v33  }
0x4e: {  	v36 =	vld [tilespmem:s25+$0xFFFFFFF0]  }
0x4f: {  	v37 =	vbroadcast v1, $0x6;
	v2 =	vadd.f32 v3, v2;
	v3 =	vmul.f32 v32, v35;
	_ =	sdelay $0x1  }
0x50: {  	v1 =	vbroadcast v1, $0x7;
	v2 =	vadd.f32 v3, v2;
	v3 =	vmul.f32 v34, v37;
	_ =	sdelay $0x1  }
0x51: {  	v1 =	vmul.f32 v36, v1;
	v2 =	vadd.f32 v3, v2;
	_ =	sdelay $0x1  }
0x52: {  	v1 =	vadd.f32 v1, v2;
	_ =	sdelay $0x1  }
0x53: {  	[tilespmem:s26+$0x12CB0] =	vst v1  }
0x54: {  	v1 =	vld [tilespmem:s24+$0x0]  }
0x55: {  	v2 =	vld [tilespmem:s25+$0x10]  }
0x56: {  	v3 =	vld [tilespmem:s25+$0x0];
	_ =	sdelay $0x1  }
0x57: {  	v38 =	vld [tilespmem:s25+$0x20]  }
0x58: {  	v39 =	vbroadcast v1, $0x0;
	v40 =	vbroadcast v1, $0x1  }
0x59: {  	v42 =	vld [tilespmem:s25+$0x30];
	v41 =	vbroadcast v1, $0x2  }
0x5a: {  	v3 =	vmul.f32 v3, v39;
	v2 =	vmul.f32 v2, v40  }
0x5b: {  	v43 =	vld [tilespmem:s25+$0x40]  }
0x5c: {  	v44 =	vbroadcast v1, $0x3;
	v2 =	vadd.f32 v2, v3;
	v3 =	vmul.f32 v38, v41  }
0x5d: {  	v45 =	vld [tilespmem:s25+$0x50]  }
0x5e: {  	v46 =	vbroadcast v1, $0x4;
	v2 =	vadd.f32 v3, v2;
	v3 =	vmul.f32 v42, v44  }
0x5f: {  	v47 =	vld [tilespmem:s25+$0x60]  }
0x60: {  	v48 =	vbroadcast v1, $0x5;
	v2 =	vadd.f32 v3, v2;
	v3 =	vmul.f32 v43, v46  }
0x61: {  	v49 =	vld [tilespmem:s25+$0x70]  }
0x62: {  	v50 =	vbroadcast v1, $0x6;
	v2 =	vadd.f32 v3, v2;
	v3 =	vmul.f32 v45, v48;
	_ =	sdelay $0x1  }
0x63: {  	v1 =	vbroadcast v1, $0x7;
	v2 =	vadd.f32 v3, v2;
	v3 =	vmul.f32 v47, v50;
	_ =	sdelay $0x1  }
0x64: {  	v1 =	vmul.f32 v49, v1;
	v2 =	vadd.f32 v3, v2;
	_ =	sdelay $0x1  }
0x65: {  	v1 =	vadd.f32 v1, v2;
	_ =	sdelay $0x1  }
0x66: {  	[tilespmem:s26+$0x12CD0] =	vst v1  }
0x67: {  	v1 =	vld [tilespmem:s24+$0x10]  }
0x68: {  	v2 =	vld [tilespmem:s25+$0x80]  }
0x69: {  	v3 =	vld [tilespmem:s25+$0x90];
	_ =	sdelay $0x1  }
0x6a: {  	v51 =	vld [tilespmem:s25+$0xA0]  }
0x6b: {  	v52 =	vbroadcast v1, $0x0;
	v53 =	vbroadcast v1, $0x1  }
0x6c: {  	v54 =	vld [tilespmem:s25+$0xB0];
	v55 =	vbroadcast v1, $0x2  }
0x6d: {  	v2 =	vmul.f32 v2, v52;
	v3 =	vmul.f32 v3, v53  }
0x6e: {  	v56 =	vld [tilespmem:s25+$0xC0]  }
0x6f: {  	v57 =	vbroadcast v1, $0x3;
	v2 =	vadd.f32 v3, v2;
	v3 =	vmul.f32 v51, v55  }
0x70: {  	v58 =	vld [tilespmem:s25+$0xD0]  }
0x71: {  	v59 =	vbroadcast v1, $0x4;
	v2 =	vadd.f32 v3, v2;
	v3 =	vmul.f32 v54, v57  }
0x72: {  	v60 =	vld [tilespmem:s25+$0xE0]  }
0x73: {  	v61 =	vbroadcast v1, $0x5;
	v2 =	vadd.f32 v3, v2;
	v3 =	vmul.f32 v56, v59  }
0x74: {  	v62 =	vld [tilespmem:s25+$0xF0]  }
0x75: {  	v63 =	vbroadcast v1, $0x6;
	v2 =	vadd.f32 v3, v2;
	v3 =	vmul.f32 v58, v61;
	_ =	sdelay $0x1  }
0x76: {  	v1 =	vbroadcast v1, $0x7;
	v2 =	vadd.f32 v3, v2;
	v3 =	vmul.f32 v60, v63;
	_ =	sdelay $0x1  }
0x77: {  	v1 =	vmul.f32 v62, v1;
	v2 =	vadd.f32 v3, v2;
	_ =	sdelay $0x1  }
0x78: {  	s28 =	simm.s32 $0x380;
	v1 =	vadd.f32 v1, v2  }
.LBB2_5:
0x79: {  	_ = 	snop  }
0x7a: {  	p0 =	sne.s32 s28, $0xF980;
	s24 =	sadd.s32 $0x40, s24;
	s25 =	sadd.s32 $0x200, s25;
	[tilespmem:s26+$0x12CF0] =	vst v1  }
0x7b: {  	s26 =	smov.u32 s28;
	s28 =	sadd.s32 $0x200, s28;
	v1 =	vld [tilespmem:s24+$0xFFFFFFE0]  }
0x7c: {  	v2 =	vld [tilespmem:s25+$0xFFFFFF10]  }
0x7d: {  	v3 =	vld [tilespmem:s25+$0xFFFFFF00];
	_ =	sdelay $0x1  }
0x7e: {  	v4 =	vld [tilespmem:s25+$0xFFFFFF20]  }
0x7f: {  	v5 =	vbroadcast v1, $0x0;
	v6 =	vbroadcast v1, $0x1  }
0x80: {  	v7 =	vbroadcast v1, $0x2;
	v9 =	vbroadcast v1, $0x3;
	v8 =	vld [tilespmem:s25+$0xFFFFFF30]  }
0x81: {  	v3 =	vmul.f32 v3, v5;
	v2 =	vmul.f32 v2, v6  }
0x82: {  	v10 =	vbroadcast v1, $0x5;
	v6 =	vbroadcast v1, $0x4;
	v5 =	vld [tilespmem:s25+$0xFFFFFF40]  }
0x83: {  	v2 =	vadd.f32 v2, v3;
	v3 =	vmul.f32 v4, v7;
	v4 =	vbroadcast v1, $0x6  }
0x84: {  	v1 =	vbroadcast v1, $0x7;
	v7 =	vld [tilespmem:s25+$0xFFFFFF50]  }
0x85: {  	v2 =	vadd.f32 v3, v2;
	v3 =	vmul.f32 v8, v9  }
0x86: {  	v8 =	vld [tilespmem:s25+$0xFFFFFF60]  }
0x87: {  	v2 =	vadd.f32 v3, v2;
	v3 =	vmul.f32 v5, v6  }
0x88: {  	v5 =	vld [tilespmem:s25+$0xFFFFFF70]  }
0x89: {  	v2 =	vadd.f32 v3, v2;
	v3 =	vmul.f32 v7, v10;
	_ =	sdelay $0x1  }
0x8a: {  	v2 =	vadd.f32 v3, v2;
	v3 =	vmul.f32 v8, v4;
	_ =	sdelay $0x1  }
0x8b: {  	v2 =	vadd.f32 v3, v2;
	v1 =	vmul.f32 v5, v1;
	_ =	sdelay $0x1  }
0x8c: {  	v1 =	vadd.f32 v1, v2  }
0x8d: {  	s26 =	sshra.s32 s26, $0x2  }
0x8e: {  	[tilespmem:s26+$0x12C90] =	vst v1  }
0x8f: {  	v1 =	vld [tilespmem:s24+$0xFFFFFFF0]  }
0x90: {  	v2 =	vld [tilespmem:s25+$0xFFFFFF90]  }
0x91: {  	v3 =	vld [tilespmem:s25+$0xFFFFFF80];
	_ =	sdelay $0x1  }
0x92: {  	v4 =	vld [tilespmem:s25+$0xFFFFFFA0]  }
0x93: {  	v5 =	vbroadcast v1, $0x0;
	v6 =	vbroadcast v1, $0x1  }
0x94: {  	v7 =	vbroadcast v1, $0x2;
	v9 =	vbroadcast v1, $0x3;
	v8 =	vld [tilespmem:s25+$0xFFFFFFB0]  }
0x95: {  	v3 =	vmul.f32 v3, v5;
	v2 =	vmul.f32 v2, v6  }
0x96: {  	v10 =	vbroadcast v1, $0x5;
	v6 =	vbroadcast v1, $0x4;
	v5 =	vld [tilespmem:s25+$0xFFFFFFC0]  }
0x97: {  	v2 =	vadd.f32 v2, v3;
	v3 =	vmul.f32 v4, v7;
	v4 =	vbroadcast v1, $0x6  }
0x98: {  	v1 =	vbroadcast v1, $0x7;
	v7 =	vld [tilespmem:s25+$0xFFFFFFD0]  }
0x99: {  	v2 =	vadd.f32 v3, v2;
	v3 =	vmul.f32 v8, v9  }
0x9a: {  	v8 =	vld [tilespmem:s25+$0xFFFFFFE0]  }
0x9b: {  	v2 =	vadd.f32 v3, v2;
	v3 =	vmul.f32 v5, v6  }
0x9c: {  	v5 =	vld [tilespmem:s25+$0xFFFFFFF0]  }
0x9d: {  	v2 =	vadd.f32 v3, v2;
	v3 =	vmul.f32 v7, v10;
	_ =	sdelay $0x1  }
0x9e: {  	v2 =	vadd.f32 v3, v2;
	v3 =	vmul.f32 v8, v4;
	_ =	sdelay $0x1  }
0x9f: {  	v2 =	vadd.f32 v3, v2;
	v1 =	vmul.f32 v5, v1;
	_ =	sdelay $0x1  }
0xa0: {  	v1 =	vadd.f32 v1, v2;
	_ =	sdelay $0x1  }
0xa1: {  	[tilespmem:s26+$0x12CB0] =	vst v1  }
0xa2: {  	v1 =	vld [tilespmem:s24+$0x0]  }
0xa3: {  	v2 =	vld [tilespmem:s25+$0x10]  }
0xa4: {  	v3 =	vld [tilespmem:s25+$0x0];
	_ =	sdelay $0x1  }
0xa5: {  	v4 =	vld [tilespmem:s25+$0x20]  }
0xa6: {  	v5 =	vbroadcast v1, $0x0;
	v6 =	vbroadcast v1, $0x1  }
0xa7: {  	v7 =	vbroadcast v1, $0x2;
	v9 =	vbroadcast v1, $0x3;
	v8 =	vld [tilespmem:s25+$0x30]  }
0xa8: {  	v3 =	vmul.f32 v3, v5;
	v2 =	vmul.f32 v2, v6  }
0xa9: {  	v10 =	vbroadcast v1, $0x5;
	v6 =	vbroadcast v1, $0x4;
	v5 =	vld [tilespmem:s25+$0x40]  }
0xaa: {  	v2 =	vadd.f32 v2, v3;
	v3 =	vmul.f32 v4, v7;
	v4 =	vbroadcast v1, $0x6  }
0xab: {  	v1 =	vbroadcast v1, $0x7;
	v7 =	vld [tilespmem:s25+$0x50]  }
0xac: {  	v2 =	vadd.f32 v3, v2;
	v3 =	vmul.f32 v8, v9  }
0xad: {  	v8 =	vld [tilespmem:s25+$0x60]  }
0xae: {  	v2 =	vadd.f32 v3, v2;
	v3 =	vmul.f32 v5, v6  }
0xaf: {  	v5 =	vld [tilespmem:s25+$0x70]  }
0xb0: {  	v2 =	vadd.f32 v3, v2;
	v3 =	vmul.f32 v7, v10;
	_ =	sdelay $0x1  }
0xb1: {  	v2 =	vadd.f32 v3, v2;
	v3 =	vmul.f32 v8, v4;
	_ =	sdelay $0x1  }
0xb2: {  	v2 =	vadd.f32 v3, v2;
	v1 =	vmul.f32 v5, v1;
	_ =	sdelay $0x1  }
0xb3: {  	v1 =	vadd.f32 v1, v2;
	_ =	sdelay $0x1  }
0xb4: {  	[tilespmem:s26+$0x12CD0] =	vst v1  }
0xb5: {  	v1 =	vld [tilespmem:s24+$0x10]  }
0xb6: {  	v2 =	vld [tilespmem:s25+$0x80]  }
0xb7: {  	v3 =	vld [tilespmem:s25+$0x90]  }
0xb8: {  	v4 =	vld [tilespmem:s25+$0xA0]  }
0xb9: {  	v5 =	vld [tilespmem:s25+$0xB0]  }
0xba: {  	v6 =	vbroadcast v1, $0x0;
	v7 =	vbroadcast v1, $0x1;
	v8 =	vld [tilespmem:s25+$0xC0]  }
0xbb: {  	v9 =	vbroadcast v1, $0x2;
	v10 =	vbroadcast v1, $0x3;
	v11 =	vld [tilespmem:s25+$0xD0]  }
0xbc: {  	v2 =	vmul.f32 v2, v6;
	v3 =	vmul.f32 v3, v7;
	v6 =	vld [tilespmem:s25+$0xE0]  }
0xbd: {  	v12 =	vbroadcast v1, $0x5;
	v7 =	vbroadcast v1, $0x4;
	v13 =	vld [tilespmem:s25+$0xF0]  }
0xbe: {  	v2 =	vadd.f32 v3, v2;
	v3 =	vmul.f32 v4, v9;
	v4 =	vbroadcast v1, $0x6  }
0xbf: {  	v1 =	vbroadcast v1, $0x7  }
0xc0: {  	v2 =	vadd.f32 v3, v2;
	v3 =	vmul.f32 v5, v10;
	_ =	sdelay $0x1  }
0xc1: {  	v2 =	vadd.f32 v3, v2;
	v3 =	vmul.f32 v8, v7;
	_ =	sdelay $0x1  }
0xc2: {  	v2 =	vadd.f32 v3, v2;
	v3 =	vmul.f32 v11, v12;
	_ =	sdelay $0x1  }
.Ltmp1:
0xc3: {  	v2 =	vadd.f32 v3, v2;
	v3 =	vmul.f32 v6, v4;
	(pc) =	sbr.rel @p0 .LBB2_5-.Ltmp1, $3  }
0xc4: {  	_ = 	snop  }
0xc5: {  	v1 =	vmul.f32 v13, v1;
	v2 =	vadd.f32 v3, v2;
	_ =	sdelay $0x1  }
0xc6: {  	v1 =	vadd.f32 v1, v2  }
0xc7: {  	s22 =	sadd.s32 $0x1, s22  }
0xc8: {  	p0 =	sne.s32 s22, $0x5  }
.Ltmp2:
0xc9: {  	s23 =	sadd.s32 $0x9D8, s23;
	[tilespmem:s26+$0x12CF0] =	vst v1;
	(pc) =	sbr.rel @p0 .LBB2_4-.Ltmp2, $4  }
0xca: {  	[spmem:s2] =	stream.indirect.scatter.add.f32 [tilespmem:s20], [sflag:$0x2], $0x20, s23, s16, $0xb8;
	[tilespmem:$0x1B990] =	vst v63  }
0xcb: {  	_ =	swait.ge [sflag:s12], $0x3E80  }
0xcc: {  	[sflag:s12] =	ssyncset.done $0x0  }
0xcd: {  	[sflag:s12] =	ssyncadd.s32 $0xFFFFC180  }
0xce: {  	s21 =	sadd.s32 $0x1, s21  }
0xcf: {  	p0 =	sne.s32 s21, s11  }
.Ltmp3:
0xd0: {  	[bflag:$0x0] =	sbarrier.arrive $0xFFFF;
	(pc) =	sbr.rel @p0 .LBB2_1-.Ltmp3, $4  }
0xd1: {  	[hbm:s10], [sflag:s14] =	dma.local [spmem:s15], $0x9C4  }
0xd2: {  	_ =	swait.ge [sflag:s12], $0x9C4  }
0xd3: {  	[sflag:s12] =	ssyncset.done $0x0  }
0xd4: {  	[sflag:s12] =	ssyncadd.s32 $0xFFFFF63C  }
0xd5: {  	_ =	sfence.sel $0x180000  }
0xd6: {  	[bflag:$0x0] =	sbarrier.arrive $0xFFFF  }
0xd7: {  	p0 =	sne.s32 s0, $0x0;
	_ =	strace $0x90000047  }
0xd8: {  	s0 =	sadd.s32 @!p0 $0x100000, s1;
	[bflag:$0x2] =	sbarrier.arrive $0xFFFF  }
0xd9: {  	[sflag:s0] =	ssyncadd.tile.s32 @!p0 $0x1;
	_ =	shalt  }
.Lfunc_end2:
_tile_overlayer_lowered:
.L_overlay_start_2:
0xda: {  	(tag) =	ssettag $0x2  }
0xdb: {  	s0 =	rddreg [dreg:$0x0];
	s2 =	stileid.u32  }
0xdc: {  	s1 =	rddreg [dreg:$0x1];
	p0 =	sne.s32 s2, $0x0  }
0xdd: {  	s3 =	rddreg [dreg:$0x2];
	[bflag:$0x3] =	sbarrier.arrive $0xFFFF;
	s2 =	simm.s32 @!p0 $0x1C02  }
0xde: {  	[timem:s3], [sflag:s2] =	dma.local @!p0 [hbm:s0], s1  }
0xdf: {  	s0 =	simm.s32 @!p0 $0x2  }
0xe0: {  	_ =	swait.ge @!p0 [sflag:s0], s1  }
0xe1: {  	s1 =	ssub.s32 @!p0 $0x0, s1;
	[sflag:s0] =	ssyncset.done @!p0 $0x0  }
0xe2: {  	[sflag:s0] =	ssyncadd.s32 @!p0 s1  }
0xe3: {  	[bflag:$0x3] =	sbarrier.arrive $0xFFFF  }
0xe4: {  	_ =	shalt  }

// kernel: kernel.7.cloned.1.call-start
scs
__scs_entry_jumppad:
0x0: {  	(pc) =	sbr.rel $0x88, $3  }
0x1: {  	(tag) =	ssettag $0x0;
	lr =	simm.s32 $0x1  }
0x2: {  	[smem:$0x3F97] =	sst lr;
	_ =	strace $0xD0000000  }
0x3: {  	_ = 	snop  }
0x4: {  	_ = 	snop  }
0x5: {  	_ = 	snop  }
0x6: {  	_ = 	snop  }
0x7: {  	_ = 	snop  }
__scs_overlays_trampoline_lowered:
0x8: {  	[smem:$0x3FA6] =	sst s0  }
0x9: {  	[smem:$0x3FA7] =	sst s1  }
0xa: {  	[smem:$0x3FA8] =	sst s2  }
0xb: {  	[smem:$0x3FA9] =	sst s3  }
0xc: {  	[smem:$0x3FAA] =	sst s4  }
0xd: {  	[smem:$0x3FAB] =	sst s5  }
0xe: {  	[smem:$0x3FAC] =	sst s6  }
0xf: {  	[smem:$0x3FAD] =	sst s7  }
0x10: {  	[smem:$0x3FAE] =	sst s8  }
0x11: {  	[smem:$0x3FAF] =	sst s9;
	s0 =	simm.s32 @!p0 $0x0  }
0x12: {  	s1 =	sld [smem:$0x3F95];
	s0 =	simm.s32 @p0 $0x1  }
0x13: {  	[smem:$0x3FB0] =	sst s0;
	s0 =	simm.s32 @!p1 $0x0  }
0x14: {  	s2 =	sld [smem:$0x3F94];
	s0 =	simm.s32 @p1 $0x1  }
0x15: {  	[smem:$0x3FB1] =	sst s0;
	s0 =	simm.s32 @!p2 $0x0  }
0x16: {  	s3 =	sld [smem:$0x3FDB];
	s0 =	simm.s32 @p2 $0x1  }
0x17: {  	s4 =	simm.s32 $0x1BF5;
	[smem:$0x3FB3] =	sst s0  }
0x18: {  	s0 =	sld [smem:$0x3F96];
	_ =	swait.ge [sflag:s4], $0x0  }
0x19: {  	s7 =	sld [smem:$0x3F97]  }
0x1a: {  	s8 =	sadd.s32 $0xFFFFE003, lr  }
0x1b: {  	s9 =	sadd.s32 $0xFFFFFEF7, lr;
	s5 =	simm.s32 $0xFFFFFFFF;
	p2 =	slt.u32 s8, $0xFFFFF086  }
0x1c: {  	p1 =	slt.u32 s9, $0xF7A;
	s5 =	simm.s32 @!p2 $0x0  }
0x1d: {  	s5 =	simm.s32 @p1 $0x1;
	p0 =	seq.s32 s7, s2  }
0x1e: {  	s7 =	smul.u32 @!p0 $0xF7A, s2;
	p2 =	seq.s32 @!p0 s5, $0x0  }
0x1f: {  	s9 =	smul.u32 $0xF7A, s1;
	s8 =	simm.s32 @!p0 $0x1BF5;
	p2 =	por !p2, p0  }
0x20: {  	[sflag:s8] =	ssyncset.s32 @!p0 $0xFFFFF086;
	s6 =	sadd.s32 @!p0 s3, s7;
	s7 =	simm.s32 @!p0 $0x108  }
0x21: {  	s3 =	sadd.s32 s3, s9;
	s6 =	sadd.s32 @!p0 $0x88, s6;
	s7 =	simm.s32 @p2 $0x1082  }
0x22: {  	[simem:s7], [sflag:s8] =	dma.local @!p0 [hbm:s6], $0xF7A  }
0x23: {  	s9 =	sor.u32 $0xD0000000, s2;
	s6 =	simm.s32 $0x108;
	_ =	swait.ge @!p0 [sflag:s8], $0x0  }
0x24: {  	s3 =	sadd.s32 $0x88, s3;
	s6 =	simm.s32 @!p1 $0x1082;
	[sflag:s4] =	ssyncset.s32 $0xFFFFF086  }
0x25: {  	[simem:s6], [sflag:s4] =	dma.local [hbm:s3], $0xF7A  }
0x26: {  	[smem:$0x3F97] =	sst s1;
	(tag) =	ssettag s2;
	_ =	strace s9  }
0x27: {  	s1 =	sld [smem:$0x3FA7]  }
0x28: {  	s2 =	sld [smem:$0x3FA8]  }
0x29: {  	s4 =	sld [smem:$0x3FAA]  }
0x2a: {  	p0 =	seq.s32 s5, $0x0;
	s5 =	sld [smem:$0x3FAB]  }
0x2b: {  	s6 =	sld [smem:$0x3FAC]  }
0x2c: {  	s7 =	sld [smem:$0x3FAD]  }
0x2d: {  	s3 =	simm.s32 $0x108;
	s8 =	sld [smem:$0x3FAE]  }
0x2e: {  	s3 =	simm.s32 @!p0 $0x1082;
	s9 =	sld [smem:$0x3FAF]  }
0x2f: {  	lr =	sadd.s32 s0, s3;
	s0 =	sld [smem:$0x3FA6]  }
0x30: {  	s3 =	sld [smem:$0x3FA9]  }
0x31: {  	[smem:$0x3FB2] =	sst s10  }
0x32: {  	s10 =	sld [smem:$0x3FB0];
	_ =	sdelay $0x3  }
0x33: {  	p0 =	seq.s32 s10, $0x1;
	s10 =	sld [smem:$0x3FB2];
	_ =	sdelay $0x3  }
0x34: {  	[smem:$0x3FB2] =	sst s10  }
0x35: {  	s10 =	sld [smem:$0x3FB1];
	_ =	sdelay $0x3  }
0x36: {  	p1 =	seq.s32 s10, $0x1;
	s10 =	sld [smem:$0x3FB2];
	_ =	sdelay $0x3  }
0x37: {  	[smem:$0x3FB2] =	sst s10  }
0x38: {  	s10 =	sld [smem:$0x3FB3]  }
0x39: {  	_ = 	snop;
	(pc) =	sbr.ind lr, $3  }
0x3a: {  	_ = 	snop  }
0x3b: {  	_ = 	snop  }
0x3c: {  	p2 =	seq.s32 s10, $0x1;
	s10 =	sld [smem:$0x3FB2]  }
0x3d: {  	_ =	shalt  }
0x3e: {  	_ =	shalt  }
0x3f: {  	_ =	shalt  }
0x40: {  	_ =	shalt  }
0x41: {  	_ =	shalt  }
0x42: {  	_ =	shalt  }
0x43: {  	_ =	shalt  }
0x44: {  	_ =	shalt  }
0x45: {  	_ =	shalt  }
0x46: {  	_ =	shalt  }
0x47: {  	_ =	shalt  }
0x48: {  	_ =	shalt  }
0x49: {  	_ =	shalt  }
0x4a: {  	_ =	shalt  }
0x4b: {  	_ =	shalt  }
0x4c: {  	_ =	shalt  }
0x4d: {  	_ =	shalt  }
0x4e: {  	_ =	shalt  }
0x4f: {  	_ =	shalt  }
0x50: {  	_ =	shalt  }
0x51: {  	_ =	shalt  }
0x52: {  	_ =	shalt  }
0x53: {  	_ =	shalt  }
0x54: {  	_ =	shalt  }
0x55: {  	_ =	shalt  }
0x56: {  	_ =	shalt  }
0x57: {  	_ =	shalt  }
0x58: {  	_ =	shalt  }
0x59: {  	_ =	shalt  }
0x5a: {  	_ =	shalt  }
0x5b: {  	_ =	shalt  }
0x5c: {  	_ =	shalt  }
0x5d: {  	_ =	shalt  }
0x5e: {  	_ =	shalt  }
0x5f: {  	_ =	shalt  }
0x60: {  	_ =	shalt  }
0x61: {  	_ =	shalt  }
0x62: {  	_ =	shalt  }
0x63: {  	_ =	shalt  }
0x64: {  	_ =	shalt  }
0x65: {  	_ =	shalt  }
0x66: {  	_ =	shalt  }
0x67: {  	_ =	shalt  }
0x68: {  	_ =	shalt  }
0x69: {  	_ =	shalt  }
0x6a: {  	_ =	shalt  }
0x6b: {  	_ =	shalt  }
0x6c: {  	_ =	shalt  }
0x6d: {  	_ =	shalt  }
0x6e: {  	_ =	shalt  }
0x6f: {  	_ =	shalt  }
0x70: {  	_ =	shalt  }
0x71: {  	_ =	shalt  }
0x72: {  	_ =	shalt  }
0x73: {  	_ =	shalt  }
0x74: {  	_ =	shalt  }
0x75: {  	_ =	shalt  }
0x76: {  	_ =	shalt  }
0x77: {  	_ =	shalt  }
0x78: {  	_ =	shalt  }
0x79: {  	_ =	shalt  }
0x7a: {  	_ =	shalt  }
0x7b: {  	_ =	shalt  }
0x7c: {  	_ =	shalt  }
0x7d: {  	_ =	shalt  }
0x7e: {  	_ =	shalt  }
0x7f: {  	_ =	shalt  }
0x80: {  	_ =	shalt  }
0x81: {  	_ =	shalt  }
0x82: {  	_ =	shalt  }
0x83: {  	_ =	shalt  }
0x84: {  	_ =	shalt  }
0x85: {  	_ =	shalt  }
0x86: {  	_ =	shalt  }
0x87: {  	_ =	shalt  }
.Lfunc_end0:
.L_simem_size_0:
called_computation_lowered:
.L_overlay_start_0:
0x88: {  	s2 =	sld [smem:$0x3FD9]  }
0x89: {  	s3 =	sld [smem:$0x3FFE];
	_ =	sdelay $0x1  }
0x8a: {  	s1 =	srdreg.scid  }
0x8b: {  	s0 =	sand.u32 $0x1, s1  }
0x8c: {  	s17 =	sshll.u32 s0, $0xA;
	s2 =	sadd.s32 s3, s2  }
0x8d: {  	s2 =	sadd.s32 s2, s17  }
0x8e: {  	[smem:$0x3FBE] =	sst s2  }
0x8f: {  	_ = 	snop  }
0x90: {  	s18 =	sld [smem:$0x3FD0];
	(tm) =	ssettm $0x1  }
0x91: {  	s19 =	sld [smem:$0x3FFB];
	_ =	sdelay $0x3  }
0x92: {  	_ =	strace s19  }
0x93: {  	s2 =	sld [smem:$0x3FFC];
	_ =	sdelay $0x3  }
0x94: {  	_ =	strace s2  }
0x95: {  	s2 =	sld [smem:$0x3FFD];
	_ =	sdelay $0x3  }
0x96: {  	_ =	strace s2  }
0x97: {  	_ =	strace $0x8FFFFFFF  }
0x98: {  	s20 =	sld [smem:$0x3FDB];
	_ =	sdelay $0x1  }
0x99: {  	s4 =	simm.s32 $_scs_section_size  }
0x9a: {  	s5 =	simm.s32 $_size__tile_overlayer_lowered;
	s6 =	simm.s32 $_tile_overlayer_lowered  }
0x9b: {  	s7 =	simm.s32 $0x1BFF;
	s21 =	sshll.u32 s6, $0x1;
	s4 =	sadd.s32 s4, s20  }
0x9c: {  	s22 =	simm.s32 $0x0;
	s5 =	sshll.u32 s5, $0x1;
	s6 =	sadd.s32 s21, s4  }
0x9d: {  	[timem:s22], [sflag:s7] =	dma.local [hbm:s6], s5  }
0x9e: {  	_ =	swait.ge [sflag:s7], s5  }
0x9f: {  	s5 =	ssub.s32 $0x0, s5;
	[sflag:s7] =	ssyncset.done $0x0  }
0xa0: {  	[sflag:s7] =	ssyncadd.s32 s5;
	_ =	sdelay $0x1  }
0xa1: {  	s23 =	simm.s32 $0x1B8B  }
0xa2: {  	_ =	swait.ge [sflag:s23], $0x1  }
0xa3: {  	[sflag:s23] =	ssyncset.done $0x0  }
0xa4: {  	[sflag:s23] =	ssyncadd.s32 $0xFFFFFFFF  }
0xa5: {  	s5 =	sld [smem:$0x0]  }
0xa6: {  	s6 =	sand.u32 $0xFFFFFFFE, s1  }
0xa7: {  	p0 =	sne.s32 s1, s6  }
0xa8: {  	s6 =	sshll.u32 @p0 s6, $0xE  }
0xa9: {  	s6 =	sadd.s32 @p0 $0x11B8D, s6;
	s7 =	sshll.u32 @p0 s5, $0x11  }
0xaa: {  	s6 =	sor.u32 @p0 s7, s6  }
0xab: {  	[sflag:s6] =	ssyncadd.remote.s32 @p0 $0x1;
	_ =	sdelay $0x1  }
0xac: {  	s6 =	simm.s32 @p0 $0x1B8D  }
0xad: {  	_ =	swait.eq @p0 [sflag:s6], $0x1  }
0xae: {  	[sflag:s6] =	ssyncadd.s32 @p0 $0xFFFFFFFF  }
0xaf: {  	s7 =	sshll.u32 @!p0 s1, $0xE  }
0xb0: {  	s7 =	sor.u32 @!p0 $0x4000, s7;
	s6 =	simm.s32 @!p0 $0x1B8D  }
0xb1: {  	s5 =	sshll.u32 @!p0 s5, $0x11;
	s7 =	sadd.s32 @!p0 $0x11B8D, s7;
	_ =	swait.eq @!p0 [sflag:s6], $0x1  }
0xb2: {  	s5 =	sor.u32 @!p0 s5, s7;
	[sflag:s6] =	ssyncadd.s32 @!p0 $0xFFFFFFFF  }
0xb3: {  	s25 =	simm.s32 $0x1B8E;
	s24 =	sld [smem:$0x3FFE];
	[sflag:s5] =	ssyncadd.remote.s32 @!p0 $0x1  }
0xb4: {  	s26 =	simm.s32 $execute0_lowered;
	[smem:$0x3FD2] =	sst s25  }
0xb5: {  	s6 =	sshll.u32 s26, $0x1;
	_ =	strace $0x80000049;
	[dreg:$0x1] =	wrdreg $0xFFFFFFFF  }
0xb6: {  	s28 =	simm.s32 $_size_execute0_lowered;
	s4 =	sadd.s32 s4, s6;
	[dreg:$0x0] =	wrdreg $0x0  }
0xb7: {  	s6 =	sshll.u32 s28, $0x1;
	[dreg:$0x2] =	wrdreg s4  }
0xb8: {  	[dreg:$0x3] =	wrdreg s6  }
0xb9: {  	[dreg:$0x4] =	wrdreg $0xC0  }
0xba: {  	_ =	task [dreg:s22], $0x5FFFF  }
0xbb: {  	[dreg:$0x1] =	wrdreg $0xFFFFFFFF  }
0xbc: {  	[dreg:$0x0] =	wrdreg $0x60  }
0xbd: {  	[dreg:$0x2] =	wrdreg s24  }
0xbe: {  	[dreg:$0x3] =	wrdreg s18  }
0xbf: {  	[dreg:$0x4] =	wrdreg $0x16B700  }
0xc0: {  	[dreg:$0x5] =	wrdreg $0x9  }
0xc1: {  	_ =	task.clear_ibuf [dreg:s22], $0x6FFFF;
	_ =	strace $0x90000049  }
0xc2: {  	s29 =	simm.s32 $0x9;
	_ =	strace $0x8000004B  }
0xc3: {  	_ =	swait.ge [sflag:s29], $0x1  }
0xc4: {  	[sflag:s29] =	ssyncadd.s32 $0xFFFFFFFF  }
0xc5: {  	_ =	strace $0x9000004B  }
0xc6: {  	_ =	sfence  }
0xc7: {  	s30 =	sld [smem:$0x0];
	_ =	sdelay $0x2  }
0xc8: {  	s31 =	sshll.u32 s1, $0xD;
	s1 =	sshrl.u32 s1, $0x2  }
0xc9: {  	s4 =	sand.u32 $0x4000, s31;
	s1 =	sadd.s32 s1, s30  }
0xca: {  	s0 =	sor.u32 s4, s0;
	s1 =	sshll.u32 s1, $0x11  }
0xcb: {  	s0 =	sor.u32 s1, s0  }
0xcc: {  	s0 =	sadd.s32 $0x8F2B, s0  }
0xcd: {  	[sflag:s0] =	ssyncadd.remote.s32 $0x1  }
0xce: {  	_ =	sfence.sel $0xFFFF  }
0xcf: {  	[dreg:$0x0] =	wrdreg $0xFFFFFFFF;
	(pc) =	sbr.abs _section_cstart, $3  }
0xd0: {  	[dreg:$0x1] =	wrdreg $0xFFFFFFFF  }
0xd1: {  	_ =	task.clear_ibuf [dreg:s22], $0x2FFFF;
	_ =	strace $0x9FFFFFFF  }
0xd2: {  	(tm) =	ssettm $0x7FFFFFFF  }
0xd3: {  	_ =	shalt  }
tec
execute0_lowered:
.L_overlay_start_1:
0x0: {  	(tag) =	ssettag $0x1  }
0x1: {  	s6 =	rddreg [dreg:$0x0]  }
0x2: {  	s1 =	srdreg.scid;
	s8 =	rddreg [dreg:$0x1]  }
0x3: {  	s0 =	stileid.u32;
	s2 =	rddreg [dreg:$0x2]  }
0x4: {  	s3 =	simm.s32 $0x0;
	s17 =	simm.s32 $0x13B0;
	s18 =	simm.s32 $0x1  }
0x5: {  	s19 =	simm.s32 $0x32F0;
	s20 =	simm.s32 $0x12CF0;
	s21 =	simm.s32 $0x0  }
0x6: {  	s7 =	sand.u32 $0x1, s1;
	s30 =	sshll.u32 s0, $0x1;
	s1 =	rddreg [dreg:$0x3]  }
0x7: {  	s11 =	smul.u32 $0x4E20, s0;
	[smem:$0x7FF] =	sst s3;
	s4 =	sadd.s32 $0x160C00, s6  }
0x8: {  	s5 =	sadd.s32 $0x5C00, s6;
	s31 =	sshll.u32 s0, $0x6;
	s9 =	sor.u32 s7, s30  }
0x9: {  	s12 =	smul.u32 $0x4E200, s7;
	_ =	strace $0x8000004A;
	s7 =	ssub.s32 $0x2, s7  }
0xa: {  	s10 =	smul.u32 $0x13B, s9;
	s14 =	sshrl.u32 s11, $0x3;
	s15 =	sshrl.u32 s7, $0x1  }
0xb: {  	s16 =	sadd.s32 s11, s2;
	s9 =	smul.u32 $0x9C4, s9;
	s12 =	sadd.s32 s11, s12  }
0xc: {  	s14 =	sadd.s32 s14, s6;
	s15 =	ssub.s32 s7, s15;
	s13 =	sadd.s32 s10, s6  }
0xd: {  	s12 =	sshrl.u32 s12, $0x3;
	s11 =	smax.u32 s15, $0x1;
	s15 =	sshrl.u32 s16, $0x3  }
0xe: {  	s16 =	simm.s32 $0x1F4;
	s12 =	sadd.s32 s12, s6;
	s6 =	sadd.s32 s8, s10  }
0xf: {  	s7 =	sadd.s32 $0xC00, s13;
	s8 =	sadd.s32 $0x143400, s14;
	s13 =	simm.s32 $0x9D8  }
0x10: {  	v0 =	vimm.f32 $1.000000000e+00;
	s14 =	sor.u32 $0x1C02, s31;
	s10 =	sadd.s32 $0x299400, s12;
	s12 =	simm.s32 $0x2  }
.LBB2_1:
0x11: {  	[tilespmem:s3], [sflag:$0x2] =	stream.linear.gather [hbm4b:s6+s3], $0x9D8, $0x38;
	[tilespmem:$0x1B990] =	vst v63  }
0x12: {  	_ =	swait.ge [sflag:s12], $0x9D8  }
0x13: {  	[sflag:s12] =	ssyncset.done $0x0  }
0x14: {  	[sflag:s12] =	ssyncadd.s32 $0xFFFFF628  }
0x15: {  	[tilespmem:s13], [sflag:$0x2] =	stream.linear.gather [hbm4b:s7+s3], $0x9D8, $0x38;
	[tilespmem:$0x1B990] =	vst v63  }
0x16: {  	_ =	swait.ge [sflag:s12], $0x9D8  }
0x17: {  	[sflag:s12] =	ssyncset.done $0x0  }
0x18: {  	[sflag:s12] =	ssyncadd.s32 $0xFFFFF628  }
0x19: {  	[spmem:s15], [sflag:s14] =	dma.local [hbm:s8], $0x9C4  }
0x1a: {  	_ =	swait.ge [sflag:s12], $0x9C4  }
0x1b: {  	[sflag:s12] =	ssyncset.done $0x0  }
0x1c: {  	s22 =	simm.s32 $0xC0;
	s23 =	simm.s32 $0x10;
	[sflag:s12] =	ssyncadd.s32 $0xFFFFF63C  }
.LBB2_2:
0x1d: {  	p0 =	sne.s32 s22, $0xF9C0;
	[tilespmem:s23+$0x12CF0] =	vst v0;
	s23 =	smov.u32 s22;
	s22 =	sadd.s32 $0x80, s22  }
.Ltmp0:
0x1e: {  	(pc) =	sbr.rel @p0 .LBB2_2-.Ltmp0, $2  }
0x1f: {  	_ =	sdelay $0x2  }
0x20: {  	s23 =	sshra.s32 s23, $0x2  }
0x21: {  	[tilespmem:s23+$0x12CF0] =	vst v0  }
0x22: {  	s22 =	simm.s32 $0x0;
	[bflag:$0x0] =	sbarrier.arrive $0xFFFF  }
.LBB2_4:
0x23: {  	s23 =	smul.u32 $0x1F8, s22  }
0x24: {  	s24 =	smul.u32 $0x1F4, s22  }
0x25: {  	[tilespmem:s17], [sflag:$0x1] =	stream.indirect.gather [hbm4b:s5+s16], $0x10, s23, s16, $0xb8;
	[tilespmem:$0x1B990] =	vst v63  }
0x26: {  	s24 =	sadd.s32 s9, s24;
	_ =	swait.ge [sflag:s18], $0x1F40  }
0x27: {  	s24 =	sshll.u32 s24, $0x4;
	[sflag:s18] =	ssyncset.done $0x0  }
0x28: {  	s24 =	sadd.s32 s4, s24;
	[sflag:s18] =	ssyncadd.s32 $0xFFFFE0C0  }
0x29: {  	[tilespmem:s19], [sflag:$0x2] =	stream.linear.gather [hbm4b:s24+s3], $0xFA00, $0x38;
	[tilespmem:$0x1B990] =	vst v63  }
0x2a: {  	_ =	swait.ge [sflag:s12], $0xFA00  }
0x2b: {  	[sflag:s12] =	ssyncset.done $0x0  }
0x2c: {  	s24 =	simm.s32 $0x13D0;
	[sflag:s12] =	ssyncadd.s32 $0xFFFF0600  }
0x2d: {  	s25 =	simm.s32 $0x33F0;
	v1 =	vld [tilespmem:s24+$0xFFFFFFE0]  }
0x2e: {  	v2 =	vld [tilespmem:s25+$0xFFFFFF10]  }
0x2f: {  	v3 =	vld [tilespmem:s25+$0xFFFFFF00];
	_ =	sdelay $0x1  }
0x30: {  	v4 =	vld [tilespmem:s25+$0xFFFFFF20]  }
0x31: {  	v5 =	vbroadcast v1, $0x0;
	v6 =	vbroadcast v1, $0x1  }
0x32: {  	v8 =	vld [tilespmem:s25+$0xFFFFFF30];
	v7 =	vbroadcast v1, $0x2  }
0x33: {  	v3 =	vmul.f32 v3, v5;
	v2 =	vmul.f32 v2, v6  }
0x34: {  	v17 =	vld [tilespmem:s25+$0xFFFFFF40]  }
0x35: {  	v18 =	vbroadcast v1, $0x3;
	v2 =	vadd.f32 v2, v3;
	v3 =	vmul.f32 v4, v7  }
0x36: {  	v19 =	vld [tilespmem:s25+$0xFFFFFF50]  }
0x37: {  	v20 =	vbroadcast v1, $0x4;
	v2 =	vadd.f32 v3, v2;
	v3 =	vmul.f32 v8, v18  }
0x38: {  	v21 =	vld [tilespmem:s25+$0xFFFFFF60]  }
0x39: {  	v22 =	vbroadcast v1, $0x5;
	v2 =	vadd.f32 v3, v2;
	v3 =	vmul.f32 v17, v20  }
0x3a: {  	v23 =	vld [tilespmem:s25+$0xFFFFFF70]  }
0x3b: {  	v24 =	vbroadcast v1, $0x6;
	v2 =	vadd.f32 v3, v2;
	v3 =	vmul.f32 v19, v22;
	_ =	sdelay $0x1  }
0x3c: {  	v1 =	vbroadcast v1, $0x7;
	v2 =	vadd.f32 v3, v2;
	v3 =	vmul.f32 v21, v24;
	_ =	sdelay $0x1  }
0x3d: {  	v1 =	vmul.f32 v23, v1;
	v2 =	vadd.f32 v3, v2;
	_ =	sdelay $0x1  }
0x3e: {  	v1 =	vadd.f32 v1, v2  }
0x3f: {  	s26 =	simm.s32 $0x60  }
0x40: {  	[tilespmem:s26+$0x12C90] =	vst v1  }
0x41: {  	v1 =	vld [tilespmem:s24+$0xFFFFFFF0]  }
0x42: {  	v2 =	vld [tilespmem:s25+$0xFFFFFF90]  }
0x43: {  	v3 =	vld [tilespmem:s25+$0xFFFFFF80];
	_ =	sdelay $0x1  }
0x44: {  	v25 =	vld [tilespmem:s25+$0xFFFFFFA0]  }
0x45: {  	v26 =	vbroadcast v1, $0x0;
	v27 =	vbroadcast v1, $0x1  }
0x46: {  	v29 =	vld [tilespmem:s25+$0xFFFFFFB0];
	v28 =	vbroadcast v1, $0x2  }
0x47: {  	v3 =	vmul.f32 v3, v26;
	v2 =	vmul.f32 v2, v27  }
0x48: {  	v30 =	vld [tilespmem:s25+$0xFFFFFFC0]  }
0x49: {  	v31 =	vbroadcast v1, $0x3;
	v2 =	vadd.f32 v2, v3;
	v3 =	vmul.f32 v25, v28  }
0x4a: {  	v32 =	vld [tilespmem:s25+$0xFFFFFFD0]  }
0x4b: {  	v33 =	vbroadcast v1, $0x4;
	v2 =	vadd.f32 v3, v2;
	v3 =	vmul.f32 v29, v31  }
0x4c: {  	v34 =	vld [tilespmem:s25+$0xFFFFFFE0]  }
0x4d: {  	v35 =	vbroadcast v1, $0x5;
	v2 =	vadd.f32 v3, v2;
	v3 =	vmul.f32 v30, v33  }
0x4e: {  	v36 =	vld [tilespmem:s25+$0xFFFFFFF0]  }
0x4f: {  	v37 =	vbroadcast v1, $0x6;
	v2 =	vadd.f32 v3, v2;
	v3 =	vmul.f32 v32, v35;
	_ =	sdelay $0x1  }
0x50: {  	v1 =	vbroadcast v1, $0x7;
	v2 =	vadd.f32 v3, v2;
	v3 =	vmul.f32 v34, v37;
	_ =	sdelay $0x1  }
0x51: {  	v1 =	vmul.f32 v36, v1;
	v2 =	vadd.f32 v3, v2;
	_ =	sdelay $0x1  }
0x52: {  	v1 =	vadd.f32 v1, v2;
	_ =	sdelay $0x1  }
0x53: {  	[tilespmem:s26+$0x12CB0] =	vst v1  }
0x54: {  	v1 =	vld [tilespmem:s24+$0x0]  }
0x55: {  	v2 =	vld [tilespmem:s25+$0x10]  }
0x56: {  	v3 =	vld [tilespmem:s25+$0x0];
	_ =	sdelay $0x1  }
0x57: {  	v38 =	vld [tilespmem:s25+$0x20]  }
0x58: {  	v39 =	vbroadcast v1, $0x0;
	v40 =	vbroadcast v1, $0x1  }
0x59: {  	v42 =	vld [tilespmem:s25+$0x30];
	v41 =	vbroadcast v1, $0x2  }
0x5a: {  	v3 =	vmul.f32 v3, v39;
	v2 =	vmul.f32 v2, v40  }
0x5b: {  	v43 =	vld [tilespmem:s25+$0x40]  }
0x5c: {  	v44 =	vbroadcast v1, $0x3;
	v2 =	vadd.f32 v2, v3;
	v3 =	vmul.f32 v38, v41  }
0x5d: {  	v45 =	vld [tilespmem:s25+$0x50]  }
0x5e: {  	v46 =	vbroadcast v1, $0x4;
	v2 =	vadd.f32 v3, v2;
	v3 =	vmul.f32 v42, v44  }
0x5f: {  	v47 =	vld [tilespmem:s25+$0x60]  }
0x60: {  	v48 =	vbroadcast v1, $0x5;
	v2 =	vadd.f32 v3, v2;
	v3 =	vmul.f32 v43, v46  }
0x61: {  	v49 =	vld [tilespmem:s25+$0x70]  }
0x62: {  	v50 =	vbroadcast v1, $0x6;
	v2 =	vadd.f32 v3, v2;
	v3 =	vmul.f32 v45, v48;
	_ =	sdelay $0x1  }
0x63: {  	v1 =	vbroadcast v1, $0x7;
	v2 =	vadd.f32 v3, v2;
	v3 =	vmul.f32 v47, v50;
	_ =	sdelay $0x1  }
0x64: {  	v1 =	vmul.f32 v49, v1;
	v2 =	vadd.f32 v3, v2;
	_ =	sdelay $0x1  }
0x65: {  	v1 =	vadd.f32 v1, v2;
	_ =	sdelay $0x1  }
0x66: {  	[tilespmem:s26+$0x12CD0] =	vst v1  }
0x67: {  	v1 =	vld [tilespmem:s24+$0x10]  }
0x68: {  	v2 =	vld [tilespmem:s25+$0x80]  }
0x69: {  	v3 =	vld [tilespmem:s25+$0x90];
	_ =	sdelay $0x1  }
0x6a: {  	v51 =	vld [tilespmem:s25+$0xA0]  }
0x6b: {  	v52 =	vbroadcast v1, $0x0;
	v53 =	vbroadcast v1, $0x1  }
0x6c: {  	v54 =	vld [tilespmem:s25+$0xB0];
	v55 =	vbroadcast v1, $0x2  }
0x6d: {  	v2 =	vmul.f32 v2, v52;
	v3 =	vmul.f32 v3, v53  }
0x6e: {  	v56 =	vld [tilespmem:s25+$0xC0]  }
0x6f: {  	v57 =	vbroadcast v1, $0x3;
	v2 =	vadd.f32 v3, v2;
	v3 =	vmul.f32 v51, v55  }
0x70: {  	v58 =	vld [tilespmem:s25+$0xD0]  }
0x71: {  	v59 =	vbroadcast v1, $0x4;
	v2 =	vadd.f32 v3, v2;
	v3 =	vmul.f32 v54, v57  }
0x72: {  	v60 =	vld [tilespmem:s25+$0xE0]  }
0x73: {  	v61 =	vbroadcast v1, $0x5;
	v2 =	vadd.f32 v3, v2;
	v3 =	vmul.f32 v56, v59  }
0x74: {  	v62 =	vld [tilespmem:s25+$0xF0]  }
0x75: {  	v63 =	vbroadcast v1, $0x6;
	v2 =	vadd.f32 v3, v2;
	v3 =	vmul.f32 v58, v61;
	_ =	sdelay $0x1  }
0x76: {  	v1 =	vbroadcast v1, $0x7;
	v2 =	vadd.f32 v3, v2;
	v3 =	vmul.f32 v60, v63;
	_ =	sdelay $0x1  }
0x77: {  	v1 =	vmul.f32 v62, v1;
	v2 =	vadd.f32 v3, v2;
	_ =	sdelay $0x1  }
0x78: {  	s28 =	simm.s32 $0x380;
	v1 =	vadd.f32 v1, v2  }
.LBB2_5:
0x79: {  	_ = 	snop  }
0x7a: {  	p0 =	sne.s32 s28, $0xF980;
	s24 =	sadd.s32 $0x40, s24;
	s25 =	sadd.s32 $0x200, s25;
	[tilespmem:s26+$0x12CF0] =	vst v1  }
0x7b: {  	s26 =	smov.u32 s28;
	s28 =	sadd.s32 $0x200, s28;
	v1 =	vld [tilespmem:s24+$0xFFFFFFE0]  }
0x7c: {  	v2 =	vld [tilespmem:s25+$0xFFFFFF10]  }
0x7d: {  	v3 =	vld [tilespmem:s25+$0xFFFFFF00];
	_ =	sdelay $0x1  }
0x7e: {  	v4 =	vld [tilespmem:s25+$0xFFFFFF20]  }
0x7f: {  	v5 =	vbroadcast v1, $0x0;
	v6 =	vbroadcast v1, $0x1  }
0x80: {  	v7 =	vbroadcast v1, $0x2;
	v9 =	vbroadcast v1, $0x3;
	v8 =	vld [tilespmem:s25+$0xFFFFFF30]  }
0x81: {  	v3 =	vmul.f32 v3, v5;
	v2 =	vmul.f32 v2, v6  }
0x82: {  	v10 =	vbroadcast v1, $0x5;
	v6 =	vbroadcast v1, $0x4;
	v5 =	vld [tilespmem:s25+$0xFFFFFF40]  }
0x83: {  	v2 =	vadd.f32 v2, v3;
	v3 =	vmul.f32 v4, v7;
	v4 =	vbroadcast v1, $0x6  }
0x84: {  	v1 =	vbroadcast v1, $0x7;
	v7 =	vld [tilespmem:s25+$0xFFFFFF50]  }
0x85: {  	v2 =	vadd.f32 v3, v2;
	v3 =	vmul.f32 v8, v9  }
0x86: {  	v8 =	vld [tilespmem:s25+$0xFFFFFF60]  }
0x87: {  	v2 =	vadd.f32 v3, v2;
	v3 =	vmul.f32 v5, v6  }
0x88: {  	v5 =	vld [tilespmem:s25+$0xFFFFFF70]  }
0x89: {  	v2 =	vadd.f32 v3, v2;
	v3 =	vmul.f32 v7, v10;
	_ =	sdelay $0x1  }
0x8a: {  	v2 =	vadd.f32 v3, v2;
	v3 =	vmul.f32 v8, v4;
	_ =	sdelay $0x1  }
0x8b: {  	v2 =	vadd.f32 v3, v2;
	v1 =	vmul.f32 v5, v1;
	_ =	sdelay $0x1  }
0x8c: {  	v1 =	vadd.f32 v1, v2  }
0x8d: {  	s26 =	sshra.s32 s26, $0x2  }
0x8e: {  	[tilespmem:s26+$0x12C90] =	vst v1  }
0x8f: {  	v1 =	vld [tilespmem:s24+$0xFFFFFFF0]  }
0x90: {  	v2 =	vld [tilespmem:s25+$0xFFFFFF90]  }
0x91: {  	v3 =	vld [tilespmem:s25+$0xFFFFFF80];
	_ =	sdelay $0x1  }
0x92: {  	v4 =	vld [tilespmem:s25+$0xFFFFFFA0]  }
0x93: {  	v5 =	vbroadcast v1, $0x0;
	v6 =	vbroadcast v1, $0x1  }
0x94: {  	v7 =	vbroadcast v1, $0x2;
	v9 =	vbroadcast v1, $0x3;
	v8 =	vld [tilespmem:s25+$0xFFFFFFB0]  }
0x95: {  	v3 =	vmul.f32 v3, v5;
	v2 =	vmul.f32 v2, v6  }
0x96: {  	v10 =	vbroadcast v1, $0x5;
	v6 =	vbroadcast v1, $0x4;
	v5 =	vld [tilespmem:s25+$0xFFFFFFC0]  }
0x97: {  	v2 =	vadd.f32 v2, v3;
	v3 =	vmul.f32 v4, v7;
	v4 =	vbroadcast v1, $0x6  }
0x98: {  	v1 =	vbroadcast v1, $0x7;
	v7 =	vld [tilespmem:s25+$0xFFFFFFD0]  }
0x99: {  	v2 =	vadd.f32 v3, v2;
	v3 =	vmul.f32 v8, v9  }
0x9a: {  	v8 =	vld [tilespmem:s25+$0xFFFFFFE0]  }
0x9b: {  	v2 =	vadd.f32 v3, v2;
	v3 =	vmul.f32 v5, v6  }
0x9c: {  	v5 =	vld [tilespmem:s25+$0xFFFFFFF0]  }
0x9d: {  	v2 =	vadd.f32 v3, v2;
	v3 =	vmul.f32 v7, v10;
	_ =	sdelay $0x1  }
0x9e: {  	v2 =	vadd.f32 v3, v2;
	v3 =	vmul.f32 v8, v4;
	_ =	sdelay $0x1  }
0x9f: {  	v2 =	vadd.f32 v3, v2;
	v1 =	vmul.f32 v5, v1;
	_ =	sdelay $0x1  }
0xa0: {  	v1 =	vadd.f32 v1, v2;
	_ =	sdelay $0x1  }
0xa1: {  	[tilespmem:s26+$0x12CB0] =	vst v1  }
0xa2: {  	v1 =	vld [tilespmem:s24+$0x0]  }
0xa3: {  	v2 =	vld [tilespmem:s25+$0x10]  }
0xa4: {  	v3 =	vld [tilespmem:s25+$0x0];
	_ =	sdelay $0x1  }
0xa5: {  	v4 =	vld [tilespmem:s25+$0x20]  }
0xa6: {  	v5 =	vbroadcast v1, $0x0;
	v6 =	vbroadcast v1, $0x1  }
0xa7: {  	v7 =	vbroadcast v1, $0x2;
	v9 =	vbroadcast v1, $0x3;
	v8 =	vld [tilespmem:s25+$0x30]  }
0xa8: {  	v3 =	vmul.f32 v3, v5;
	v2 =	vmul.f32 v2, v6  }
0xa9: {  	v10 =	vbroadcast v1, $0x5;
	v6 =	vbroadcast v1, $0x4;
	v5 =	vld [tilespmem:s25+$0x40]  }
0xaa: {  	v2 =	vadd.f32 v2, v3;
	v3 =	vmul.f32 v4, v7;
	v4 =	vbroadcast v1, $0x6  }
0xab: {  	v1 =	vbroadcast v1, $0x7;
	v7 =	vld [tilespmem:s25+$0x50]  }
0xac: {  	v2 =	vadd.f32 v3, v2;
	v3 =	vmul.f32 v8, v9  }
0xad: {  	v8 =	vld [tilespmem:s25+$0x60]  }
0xae: {  	v2 =	vadd.f32 v3, v2;
	v3 =	vmul.f32 v5, v6  }
0xaf: {  	v5 =	vld [tilespmem:s25+$0x70]  }
0xb0: {  	v2 =	vadd.f32 v3, v2;
	v3 =	vmul.f32 v7, v10;
	_ =	sdelay $0x1  }
0xb1: {  	v2 =	vadd.f32 v3, v2;
	v3 =	vmul.f32 v8, v4;
	_ =	sdelay $0x1  }
0xb2: {  	v2 =	vadd.f32 v3, v2;
	v1 =	vmul.f32 v5, v1;
	_ =	sdelay $0x1  }
0xb3: {  	v1 =	vadd.f32 v1, v2;
	_ =	sdelay $0x1  }
0xb4: {  	[tilespmem:s26+$0x12CD0] =	vst v1  }
0xb5: {  	v1 =	vld [tilespmem:s24+$0x10]  }
0xb6: {  	v2 =	vld [tilespmem:s25+$0x80]  }
0xb7: {  	v3 =	vld [tilespmem:s25+$0x90]  }
0xb8: {  	v4 =	vld [tilespmem:s25+$0xA0]  }
0xb9: {  	v5 =	vld [tilespmem:s25+$0xB0]  }
0xba: {  	v6 =	vbroadcast v1, $0x0;
	v7 =	vbroadcast v1, $0x1;
	v8 =	vld [tilespmem:s25+$0xC0]  }
0xbb: {  	v9 =	vbroadcast v1, $0x2;
	v10 =	vbroadcast v1, $0x3;
	v11 =	vld [tilespmem:s25+$0xD0]  }
0xbc: {  	v2 =	vmul.f32 v2, v6;
	v3 =	vmul.f32 v3, v7;
	v6 =	vld [tilespmem:s25+$0xE0]  }
0xbd: {  	v12 =	vbroadcast v1, $0x5;
	v7 =	vbroadcast v1, $0x4;
	v13 =	vld [tilespmem:s25+$0xF0]  }
0xbe: {  	v2 =	vadd.f32 v3, v2;
	v3 =	vmul.f32 v4, v9;
	v4 =	vbroadcast v1, $0x6  }
0xbf: {  	v1 =	vbroadcast v1, $0x7  }
0xc0: {  	v2 =	vadd.f32 v3, v2;
	v3 =	vmul.f32 v5, v10;
	_ =	sdelay $0x1  }
0xc1: {  	v2 =	vadd.f32 v3, v2;
	v3 =	vmul.f32 v8, v7;
	_ =	sdelay $0x1  }
0xc2: {  	v2 =	vadd.f32 v3, v2;
	v3 =	vmul.f32 v11, v12;
	_ =	sdelay $0x1  }
.Ltmp1:
0xc3: {  	v2 =	vadd.f32 v3, v2;
	v3 =	vmul.f32 v6, v4;
	(pc) =	sbr.rel @p0 .LBB2_5-.Ltmp1, $3  }
0xc4: {  	_ = 	snop  }
0xc5: {  	v1 =	vmul.f32 v13, v1;
	v2 =	vadd.f32 v3, v2;
	_ =	sdelay $0x1  }
0xc6: {  	v1 =	vadd.f32 v1, v2  }
0xc7: {  	s22 =	sadd.s32 $0x1, s22  }
0xc8: {  	p0 =	sne.s32 s22, $0x5  }
.Ltmp2:
0xc9: {  	s23 =	sadd.s32 $0x9D8, s23;
	[tilespmem:s26+$0x12CF0] =	vst v1;
	(pc) =	sbr.rel @p0 .LBB2_4-.Ltmp2, $4  }
0xca: {  	[spmem:s2] =	stream.indirect.scatter.add.f32 [tilespmem:s20], [sflag:$0x2], $0x20, s23, s16, $0xb8;
	[tilespmem:$0x1B990] =	vst v63  }
0xcb: {  	_ =	swait.ge [sflag:s12], $0x3E80  }
0xcc: {  	[sflag:s12] =	ssyncset.done $0x0  }
0xcd: {  	[sflag:s12] =	ssyncadd.s32 $0xFFFFC180  }
0xce: {  	s21 =	sadd.s32 $0x1, s21  }
0xcf: {  	p0 =	sne.s32 s21, s11  }
.Ltmp3:
0xd0: {  	[bflag:$0x0] =	sbarrier.arrive $0xFFFF;
	(pc) =	sbr.rel @p0 .LBB2_1-.Ltmp3, $4  }
0xd1: {  	[hbm:s10], [sflag:s14] =	dma.local [spmem:s15], $0x9C4  }
0xd2: {  	_ =	swait.ge [sflag:s12], $0x9C4  }
0xd3: {  	[sflag:s12] =	ssyncset.done $0x0  }
0xd4: {  	[sflag:s12] =	ssyncadd.s32 $0xFFFFF63C  }
0xd5: {  	_ =	sfence.sel $0x180000  }
0xd6: {  	[bflag:$0x0] =	sbarrier.arrive $0xFFFF  }
0xd7: {  	p0 =	sne.s32 s0, $0x0;
	_ =	strace $0x9000004A  }
0xd8: {  	s0 =	sadd.s32 @!p0 $0x100000, s1;
	[bflag:$0x2] =	sbarrier.arrive $0xFFFF  }
0xd9: {  	[sflag:s0] =	ssyncadd.tile.s32 @!p0 $0x1;
	_ =	shalt  }
.Lfunc_end2:
_tile_overlayer_lowered:
.L_overlay_start_2:
0xda: {  	(tag) =	ssettag $0x2  }
0xdb: {  	s0 =	rddreg [dreg:$0x0];
	s2 =	stileid.u32  }
0xdc: {  	s1 =	rddreg [dreg:$0x1];
	p0 =	sne.s32 s2, $0x0  }
0xdd: {  	s3 =	rddreg [dreg:$0x2];
	[bflag:$0x3] =	sbarrier.arrive $0xFFFF;
	s2 =	simm.s32 @!p0 $0x1C02  }
0xde: {  	[timem:s3], [sflag:s2] =	dma.local @!p0 [hbm:s0], s1  }
0xdf: {  	s0 =	simm.s32 @!p0 $0x2  }
0xe0: {  	_ =	swait.ge @!p0 [sflag:s0], s1  }
0xe1: {  	s1 =	ssub.s32 @!p0 $0x0, s1;
	[sflag:s0] =	ssyncset.done @!p0 $0x0  }
0xe2: {  	[sflag:s0] =	ssyncadd.s32 @!p0 s1  }
0xe3: {  	[bflag:$0x3] =	sbarrier.arrive $0xFFFF  }
0xe4: {  	_ =	shalt  }

</sc_bundles>
